<compile_context>
chip_gen: v7x
topology: tpu7x:2x2x1
jax: 0.10.2.dev20260603
libtpu: 0.0.44.dev20260713+nightly
codegen_flags: <defaults>
</compile_context>

<pallas_src>
import functools

import jax
import jax.numpy as jnp
from jax.experimental import pallas as pl

_TOPK_FRAC = 0.05


def _threshold_kernel(x_ref, t_ref, *, kn):
    x = x_ref[...]
    u = jax.lax.bitcast_convert_type(x, jnp.int32) & jnp.int32(0x7FFFFFFF)

    h = (u >> 16).astype(jnp.int16)
    lo = ((u & jnp.int32(0xFFFF)) ^ jnp.int32(0x8000)).astype(jnp.int16)

    def count16(mask):
        acc = jnp.where(mask, jnp.int16(1), jnp.int16(0))
        width = acc.shape[1]
        while width > 256:
            width //= 2
            acc = acc[:, :width] + acc[:, width:]
        return jnp.sum(acc.astype(jnp.int32), axis=1, keepdims=True)

    thi = jnp.zeros((x.shape[0], 1), jnp.int32)
    for bit in range(14, -1, -1):
        cand = thi | jnp.int32(1 << bit)
        thi = jnp.where(count16(h >= cand.astype(jnp.int16)) >= kn, cand, thi)
    cgt = count16(h > thi.astype(jnp.int16))
    w = jnp.where(h == thi.astype(jnp.int16), lo, jnp.int16(-32768))
    tlo = jnp.zeros((x.shape[0], 1), jnp.int32)
    for bit in range(15, 7, -1):
        cand = tlo | jnp.int32(1 << bit)
        cb = (cand ^ jnp.int32(0x8000)).astype(jnp.int16)
        tlo = jnp.where(cgt + count16(w >= cb) >= kn, cand, tlo)
    t = (thi << 16) | tlo
    t_ref[0, 0, :] = t[:, 0]


def _gram_kernel(x_ref, t_ref, o_ref):
    n = pl.program_id(1)
    x = x_ref[0]
    u = jax.lax.bitcast_convert_type(x, jnp.int32) & jnp.int32(0x7FFFFFFF)
    t = t_ref[0]
    xm = jnp.where(u >= t, x, 0.0)
    g = jax.lax.dot_general(xm, xm, (((1,), (1,)), ((), ())),
                            preferred_element_type=jnp.float32)

    @pl.when(n == 0)
    def _init():
        o_ref[0] = g

    @pl.when(n != 0)
    def _acc():
        o_ref[0] += g


def _loss_kernel(g_ref, tg_ref, o_ref, *, inv_scale, loss_scale):
    g = g_ref[...] * inv_scale
    d = tg_ref[...] - g
    o_ref[...] = jnp.reshape(jnp.sum(d * d) * loss_scale, (1, 1))


def kernel(input, target_gram):
    b, c, h, w = input.shape
    n = h * w
    kn = max(1, int(_TOPK_FRAC * n))
    rows = b * c

    rb = 16
    thr = pl.pallas_call(
            functools.partial(_threshold_kernel, kn=kn),
            grid=(rows // rb,),
            in_specs=[pl.BlockSpec((rb, n), lambda i: (i, 0))],
            out_specs=pl.BlockSpec((1, 1, rb), lambda i: (i, 0, 0)),
            out_shape=jax.ShapeDtypeStruct((rows // rb, 1, rb), jnp.int32),
        )(input.reshape(rows, n))

    chunk = min(4096, n)
    nchunks = n // chunk
    graw = pl.pallas_call(
        _gram_kernel,
        grid=(b, nchunks),
        in_specs=[
            pl.BlockSpec((1, c, chunk), lambda bi, ni: (bi, 0, ni)),
            pl.BlockSpec((1, c, 1), lambda bi, ni: (bi, 0, 0)),
        ],
        out_specs=pl.BlockSpec((1, c, c), lambda bi, ni: (bi, 0, 0)),
        out_shape=jax.ShapeDtypeStruct((b, c, c), jnp.float32),
    )(input.reshape(b, c, n), thr.reshape(b, c, 1))

    loss2d = pl.pallas_call(
        functools.partial(
            _loss_kernel,
            inv_scale=1.0 / (b * c * n),
            loss_scale=1000000000.0 / (b * c * c),
        ),
        in_specs=[
            pl.BlockSpec((b * c, c), lambda: (0, 0)),
            pl.BlockSpec((b * c, c), lambda: (0, 0)),
        ],
        out_specs=pl.BlockSpec((1, 1), lambda: (0, 0)),
        out_shape=jax.ShapeDtypeStruct((1, 1), jnp.float32),
    )(graw.reshape(b * c, c), target_gram.reshape(b * c, c))

    return (input, loss2d[0, 0])

# --- scband reference (transcript-rebuilt; emitter-appended) ---
"""Pipeline reference for scband-texture-synthesizer-21337397527043 (READ-ONLY COPY).

The authoritative reference and input builder live on the scoring server;
editing this copy changes nothing except your own understanding.
"""

import jax, jax.numpy as jnp
import numpy as np

B, C, H, W = 8, 64, 256, 256
TOPK = 0.05
REVERSE = False


def _sparse(a4):
    b, c, h, w = a4.shape
    a = a4.reshape(b, c, h * w)
    kn = max(1, int(TOPK * h * w))
    _, idx = jax.lax.top_k(jnp.abs(a), kn)
    bi = jnp.arange(b)[:, None, None]
    ci = jnp.arange(c)[None, :, None]
    mask = jnp.zeros_like(a).at[bi, ci, idx].set(1.0)
    if REVERSE:
        mask = jnp.ones_like(mask) - mask
    return (mask * a).reshape(b, c, h, w)


def _gram(x):
    b, c, h, w = x.shape
    F = x.reshape(b, c, h * w)
    return jnp.einsum('bcn,bdn->bcd', F, F) / (b * c * h * w)


def setup_inputs(seed: int = 0) -> dict:
    key = jax.random.key(seed)
    k1, _ = jax.random.split(key)
    return {
        'input': jax.random.normal(k1, (B, C, H, W), dtype=jnp.float32),
        'target_gram': jnp.zeros((B, C, C), dtype=jnp.float32),
    }


def reference(input, target_gram):
    masked = _sparse(input)
    G = _gram(masked)
    loss = 1000000000.0 * jnp.mean((target_gram - G) ** 2)
    return (input, loss)

if __name__ == "__main__":
    import jax
    _d = setup_inputs()
    print(jax.jit(kernel)(*tuple(_d.values())))

</pallas_src>

<mosaic_0001>
module attributes {stable_mosaic.version = 14 : i64} {
  func.func @_gram_kernel(%arg0: i32, %arg1: i32, %arg2: memref<1x64x4096xf32, #tpu.memory_space<vmem>>, %arg3: memref<1x64x1xi32, #tpu.memory_space<vmem>>, %arg4: memref<1x64x64xf32, #tpu.memory_space<vmem>>) attributes {dimension_semantics = [#tpu.dimension_semantics<arbitrary>, #tpu.dimension_semantics<arbitrary>], iteration_bounds = array<i64: 8, 16>, scalar_prefetch = 0 : i64, scratch_operands = 0 : i64, tpu.core_type = #tpu.core_type<tc>, window_params = [{transform_indices = @transform_0, window_bounds = array<i64: 1, 64, 4096>}, {transform_indices = @transform_1, window_bounds = array<i64: 1, 64, 1>}, {transform_indices = @transform_2, window_bounds = array<i64: 1, 64, 64>}]} {
    %get3A = arith.constant 0 : index
    %get3A_0 = arith.constant 0 : index
    %get3A_1 = arith.constant 0 : index
    %get3A_2 = vector.load %arg2[%get3A, %get3A_0, %get3A_1] : memref<1x64x4096xf32, #tpu.memory_space<vmem>>, vector<1x64x4096xf32>
    %get3A_3 = vector.shape_cast %get3A_2 : vector<1x64x4096xf32> to vector<64x4096xf32>
    %bitcast_convert_type3A = tpu.bitcast %get3A_3 : vector<64x4096xf32> -> vector<64x4096xi32>
    %and3A = arith.constant 2147483647 : i32
    %and3A_4 = vector.broadcast %and3A : i32 to vector<64x4096xi32>
    %and3A_5 = arith.andi %bitcast_convert_type3A, %and3A_4 : vector<64x4096xi32>
    %get3A_6 = arith.constant 0 : index
    %get3A_7 = arith.constant 0 : index
    %get3A_8 = arith.constant 0 : index
    %get3A_9 = vector.load %arg3[%get3A_6, %get3A_7, %get3A_8] : memref<1x64x1xi32, #tpu.memory_space<vmem>>, vector<1x64x1xi32>
    %get3A_10 = vector.shape_cast %get3A_9 : vector<1x64x1xi32> to vector<64x1xi32>
    %ge3A = vector.broadcast %get3A_10 : vector<64x1xi32> to vector<64x4096xi32>
    %ge3A_11 = arith.cmpi sge, %and3A_5, %ge3A : vector<64x4096xi32>
    %jit3A = arith.constant 0.000000e+00 : f32
    %broadcast_in_dim3A = vector.broadcast %jit3A : f32 to vector<64x4096xf32>
    %select_n3A = arith.select %ge3A_11, %get3A_3, %broadcast_in_dim3A : vector<64x4096xi1>, vector<64x4096xf32>
    %dot_general3A = arith.constant dense<0.000000e+00> : vector<64x64xf32>
    %dot_general3A_12 = tpu.matmul %select_n3A, %select_n3A, %dot_general3A {dimension_numbers = #tpu.dot_dimension_numbers<[1], [1], [0], [0], [0, 0, 1, 0], [], []>, transpose_lhs_hint = false} : vector<64x4096xf32>, vector<64x4096xf32>, vector<64x64xf32> -> vector<64x64xf32>
    %eq3A = arith.constant 0 : i32
    %eq3A_13 = arith.cmpi eq, %arg1, %eq3A : i32
    %convert_element_type3A = arith.extui %eq3A_13 : i1 to i32
    %cond3A = arith.constant 0 : i32
    %cond3A_14 = arith.cmpi ne, %convert_element_type3A, %cond3A : i32
    scf.if %cond3A_14 {
      %swap3A = arith.constant 0 : index
      %swap3A_19 = arith.constant 0 : index
      %swap3A_20 = arith.constant 0 : index
      %swap3A_21 = vector.load %arg4[%swap3A, %swap3A_19, %swap3A_20] : memref<1x64x64xf32, #tpu.memory_space<vmem>>, vector<1x64x64xf32>
      %swap3A_22 = vector.shape_cast %swap3A_21 : vector<1x64x64xf32> to vector<64x64xf32>
      %swap3A_23 = vector.shape_cast %dot_general3A_12 : vector<64x64xf32> to vector<1x64x64xf32>
      tpu.vector_store %arg4[%swap3A, %swap3A_19, %swap3A_20], %swap3A_23 {strides = array<i32>} : memref<1x64x64xf32, #tpu.memory_space<vmem>>, vector<1x64x64xf32>,
    } else {
    }
    %ne3A = arith.constant 0 : i32
    %ne3A_15 = arith.cmpi ne, %arg1, %ne3A : i32
    %convert_element_type3A_16 = arith.extui %ne3A_15 : i1 to i32
    %cond3A_17 = arith.constant 0 : i32
    %cond3A_18 = arith.cmpi ne, %convert_element_type3A_16, %cond3A_17 : i32
    scf.if %cond3A_18 {
      %get3A_19 = arith.constant 0 : index
      %get3A_20 = arith.constant 0 : index
      %get3A_21 = arith.constant 0 : index
      %get3A_22 = vector.load %arg4[%get3A_19, %get3A_20, %get3A_21] : memref<1x64x64xf32, #tpu.memory_space<vmem>>, vector<1x64x64xf32>
      %get3A_23 = vector.shape_cast %get3A_22 : vector<1x64x64xf32> to vector<64x64xf32>
      %add3A = arith.addf %get3A_23, %dot_general3A_12 : vector<64x64xf32>
      %swap3A = arith.constant 0 : index
      %swap3A_24 = arith.constant 0 : index
      %swap3A_25 = arith.constant 0 : index
      %swap3A_26 = vector.load %arg4[%swap3A, %swap3A_24, %swap3A_25] : memref<1x64x64xf32, #tpu.memory_space<vmem>>, vector<1x64x64xf32>
      %swap3A_27 = vector.shape_cast %swap3A_26 : vector<1x64x64xf32> to vector<64x64xf32>
      %swap3A_28 = vector.shape_cast %add3A : vector<64x64xf32> to vector<1x64x64xf32>
      tpu.vector_store %arg4[%swap3A, %swap3A_24, %swap3A_25], %swap3A_28 {strides = array<i32>} : memref<1x64x64xf32, #tpu.memory_space<vmem>>, vector<1x64x64xf32>,
    } else {
    }
    return
  }
  func.func @transform_0(%arg0: i32, %arg1: i32) -> (i32, i32, i32) {
    %c0_i32 = arith.constant 0 : i32
    %c0_i32_0 = arith.constant 0 : i32
    return %arg0, %c0_i32, %arg1 : i32, i32, i32
  }
  func.func @transform_1(%arg0: i32, %arg1: i32) -> (i32, i32, i32) {
    %c0_i32 = arith.constant 0 : i32
    %c0_i32_0 = arith.constant 0 : i32
    %c0_i32_1 = arith.constant 0 : i32
    return %arg0, %c0_i32, %c0_i32_0 : i32, i32, i32
  }
  func.func @transform_2(%arg0: i32, %arg1: i32) -> (i32, i32, i32) {
    %c0_i32 = arith.constant 0 : i32
    %c0_i32_0 = arith.constant 0 : i32
    %c0_i32_1 = arith.constant 0 : i32
    return %arg0, %c0_i32, %c0_i32_0 : i32, i32, i32
  }
}

module attributes {stable_mosaic.version = 14 : i64} {
  func.func @_loss_kernel(%arg0: memref<512x64xf32, #tpu.memory_space<vmem>>, %arg1: memref<512x64xf32, #tpu.memory_space<vmem>>, %arg2: memref<1x1xf32, #tpu.memory_space<vmem>>) attributes {dimension_semantics = [], scalar_prefetch = 0 : i64, scratch_operands = 0 : i64, tpu.core_type = #tpu.core_type<tc>} {
    %get3A = arith.constant 0 : index
    %get3A_0 = arith.constant 0 : index
    %get3A_1 = vector.load %arg0[%get3A, %get3A_0] : memref<512x64xf32, #tpu.memory_space<vmem>>, vector<512x64xf32>
    %mul3A = arith.constant 2.98023224E-8 : f32
    %mul3A_2 = vector.broadcast %mul3A : f32 to vector<512x64xf32>
    %mul3A_3 = arith.mulf %get3A_1, %mul3A_2 : vector<512x64xf32>
    %get3A_4 = arith.constant 0 : index
    %get3A_5 = arith.constant 0 : index
    %get3A_6 = vector.load %arg1[%get3A_4, %get3A_5] : memref<512x64xf32, #tpu.memory_space<vmem>>, vector<512x64xf32>
    %sub3A = arith.subf %get3A_6, %mul3A_3 : vector<512x64xf32>
    %mul3A_7 = arith.mulf %sub3A, %sub3A : vector<512x64xf32>
    %reduce_sum3A = vector.shape_cast %mul3A_7 : vector<512x64xf32> to vector<1x512x64xf32>
    %reduce_sum3A_8 = arith.constant dense<0.000000e+00> : vector<1xf32>
    %reduce_sum3A_9 = vector.multi_reduction <add>, %reduce_sum3A, %reduce_sum3A_8 [1, 2] : vector<1x512x64xf32> to vector<1xf32>
    %reduce_sum3A_10 = vector.shape_cast %reduce_sum3A_9 : vector<1xf32> to vector<1x1x1xf32>
    %reduce_sum3A_11 = vector.extract %reduce_sum3A_10[0, 0, 0] : f32 from vector<1x1x1xf32>
    %mul3A_12 = arith.constant 30517.5781 : f32
    %mul3A_13 = arith.mulf %reduce_sum3A_11, %mul3A_12 : f32
    %reshape3A = vector.broadcast %mul3A_13 : f32 to vector<1x1xf32>
    %swap3A = arith.constant 0 : index
    %swap3A_14 = arith.constant 0 : index
    %swap3A_15 = vector.load %arg2[%swap3A, %swap3A_14] : memref<1x1xf32, #tpu.memory_space<vmem>>, vector<1x1xf32>
    tpu.vector_store %arg2[%swap3A, %swap3A_14], %reshape3A {strides = array<i32>} : memref<1x1xf32, #tpu.memory_space<vmem>>, vector<1x1xf32>,
    return
  }
}

module attributes {stable_mosaic.version = 14 : i64} {
  func.func @_threshold_kernel(%arg0: i32, %arg1: memref<16x65536xf32, #tpu.memory_space<vmem>>, %arg2: memref<1x1x16xi32, #tpu.memory_space<vmem>>) attributes {dimension_semantics = [#tpu.dimension_semantics<arbitrary>], iteration_bounds = array<i64: 32>, scalar_prefetch = 0 : i64, scratch_operands = 0 : i64, tpu.core_type = #tpu.core_type<tc>, window_params = [{transform_indices = @transform_0, window_bounds = array<i64: 16, 65536>}, {transform_indices = @transform_1, window_bounds = array<i64: 1, 1, 16>}]} {
    %get3A = arith.constant 0 : index
    %get3A_0 = arith.constant 0 : index
    %get3A_1 = vector.load %arg1[%get3A, %get3A_0] : memref<16x65536xf32, #tpu.memory_space<vmem>>, vector<16x65536xf32>
    %bitcast_convert_type3A = tpu.bitcast %get3A_1 : vector<16x65536xf32> -> vector<16x65536xi32>
    %and3A = arith.constant 2147483647 : i32
    %and3A_2 = vector.broadcast %and3A : i32 to vector<16x65536xi32>
    %and3A_3 = arith.andi %bitcast_convert_type3A, %and3A_2 : vector<16x65536xi32>
    %shift_right_arithmetic3A = arith.constant 16 : i32
    %shift_right_arithmetic3A_4 = vector.broadcast %shift_right_arithmetic3A : i32 to vector<16x65536xi32>
    %shift_right_arithmetic3A_5 = arith.shrsi %and3A_3, %shift_right_arithmetic3A_4 : vector<16x65536xi32>
    %convert_element_type3A = arith.trunci %shift_right_arithmetic3A_5 : vector<16x65536xi32> to vector<16x65536xi16>
    %and3A_6 = arith.constant 65535 : i32
    %and3A_7 = vector.broadcast %and3A_6 : i32 to vector<16x65536xi32>
    %and3A_8 = arith.andi %and3A_3, %and3A_7 : vector<16x65536xi32>
    %xor3A = arith.constant 32768 : i32
    %xor3A_9 = vector.broadcast %xor3A : i32 to vector<16x65536xi32>
    %xor3A_10 = arith.xori %and3A_8, %xor3A_9 : vector<16x65536xi32>
    %convert_element_type3A_11 = arith.trunci %xor3A_10 : vector<16x65536xi32> to vector<16x65536xi16>
    %broadcast_in_dim3A = arith.constant 0 : i32
    %broadcast_in_dim3A_12 = vector.broadcast %broadcast_in_dim3A : i32 to vector<16x1xi32>
    %or3A = arith.constant 16384 : i32
    %or3A_13 = vector.broadcast %or3A : i32 to vector<16x1xi32>
    %or3A_14 = arith.ori %broadcast_in_dim3A_12, %or3A_13 : vector<16x1xi32>
    %convert_element_type3A_15 = arith.trunci %or3A_14 : vector<16x1xi32> to vector<16x1xi16>
    %ge3A = vector.broadcast %convert_element_type3A_15 : vector<16x1xi16> to vector<16x65536xi16>
    %ge3A_16 = arith.cmpi sge, %convert_element_type3A, %ge3A : vector<16x65536xi16>
    %jit3A = arith.constant 1 : i16
    %jit3A_17 = arith.constant 0 : i16
    %broadcast_in_dim3A_18 = vector.broadcast %jit3A : i16 to vector<16x65536xi16>
    %broadcast_in_dim3A_19 = vector.broadcast %jit3A_17 : i16 to vector<16x65536xi16>
    %select_n3A = arith.select %ge3A_16, %broadcast_in_dim3A_18, %broadcast_in_dim3A_19 : vector<16x65536xi1>, vector<16x65536xi16>
    %slice3A = vector.extract_strided_slice %select_n3A {offsets = [0, 0], sizes = [16, 32768], strides = [1, 1]} : vector<16x65536xi16> to vector<16x32768xi16>
    %slice3A_20 = vector.extract_strided_slice %select_n3A {offsets = [0, 32768], sizes = [16, 32768], strides = [1, 1]} : vector<16x65536xi16> to vector<16x32768xi16>
    %add3A = arith.addi %slice3A, %slice3A_20 : vector<16x32768xi16>
    %slice3A_21 = vector.extract_strided_slice %add3A {offsets = [0, 0], sizes = [16, 16384], strides = [1, 1]} : vector<16x32768xi16> to vector<16x16384xi16>
    %slice3A_22 = vector.extract_strided_slice %add3A {offsets = [0, 16384], sizes = [16, 16384], strides = [1, 1]} : vector<16x32768xi16> to vector<16x16384xi16>
    %add3A_23 = arith.addi %slice3A_21, %slice3A_22 : vector<16x16384xi16>
    %slice3A_24 = vector.extract_strided_slice %add3A_23 {offsets = [0, 0], sizes = [16, 8192], strides = [1, 1]} : vector<16x16384xi16> to vector<16x8192xi16>
    %slice3A_25 = vector.extract_strided_slice %add3A_23 {offsets = [0, 8192], sizes = [16, 8192], strides = [1, 1]} : vector<16x16384xi16> to vector<16x8192xi16>
    %add3A_26 = arith.addi %slice3A_24, %slice3A_25 : vector<16x8192xi16>
    %slice3A_27 = vector.extract_strided_slice %add3A_26 {offsets = [0, 0], sizes = [16, 4096], strides = [1, 1]} : vector<16x8192xi16> to vector<16x4096xi16>
    %slice3A_28 = vector.extract_strided_slice %add3A_26 {offsets = [0, 4096], sizes = [16, 4096], strides = [1, 1]} : vector<16x8192xi16> to vector<16x4096xi16>
    %add3A_29 = arith.addi %slice3A_27, %slice3A_28 : vector<16x4096xi16>
    %slice3A_30 = vector.extract_strided_slice %add3A_29 {offsets = [0, 0], sizes = [16, 2048], strides = [1, 1]} : vector<16x4096xi16> to vector<16x2048xi16>
    %slice3A_31 = vector.extract_strided_slice %add3A_29 {offsets = [0, 2048], sizes = [16, 2048], strides = [1, 1]} : vector<16x4096xi16> to vector<16x2048xi16>
    %add3A_32 = arith.addi %slice3A_30, %slice3A_31 : vector<16x2048xi16>
    %slice3A_33 = vector.extract_strided_slice %add3A_32 {offsets = [0, 0], sizes = [16, 1024], strides = [1, 1]} : vector<16x2048xi16> to vector<16x1024xi16>
    %slice3A_34 = vector.extract_strided_slice %add3A_32 {offsets = [0, 1024], sizes = [16, 1024], strides = [1, 1]} : vector<16x2048xi16> to vector<16x1024xi16>
    %add3A_35 = arith.addi %slice3A_33, %slice3A_34 : vector<16x1024xi16>
    %slice3A_36 = vector.extract_strided_slice %add3A_35 {offsets = [0, 0], sizes = [16, 512], strides = [1, 1]} : vector<16x1024xi16> to vector<16x512xi16>
    %slice3A_37 = vector.extract_strided_slice %add3A_35 {offsets = [0, 512], sizes = [16, 512], strides = [1, 1]} : vector<16x1024xi16> to vector<16x512xi16>
    %add3A_38 = arith.addi %slice3A_36, %slice3A_37 : vector<16x512xi16>
    %slice3A_39 = vector.extract_strided_slice %add3A_38 {offsets = [0, 0], sizes = [16, 256], strides = [1, 1]} : vector<16x512xi16> to vector<16x256xi16>
    %slice3A_40 = vector.extract_strided_slice %add3A_38 {offsets = [0, 256], sizes = [16, 256], strides = [1, 1]} : vector<16x512xi16> to vector<16x256xi16>
    %add3A_41 = arith.addi %slice3A_39, %slice3A_40 : vector<16x256xi16>
    %convert_element_type3A_42 = arith.extsi %add3A_41 : vector<16x256xi16> to vector<16x256xi32>
    %reduce_sum3A = arith.constant dense<0> : vector<16xi32>
    %reduce_sum3A_43 = vector.multi_reduction <add>, %convert_element_type3A_42, %reduce_sum3A [1] : vector<16x256xi32> to vector<16xi32>
    %broadcast_in_dim3A_44 = vector.shape_cast %reduce_sum3A_43 : vector<16xi32> to vector<16x1xi32>
    %ge3A_45 = arith.constant 3276 : i32
    %ge3A_46 = vector.broadcast %ge3A_45 : i32 to vector<16x1xi32>
    %ge3A_47 = arith.cmpi sge, %broadcast_in_dim3A_44, %ge3A_46 : vector<16x1xi32>
    %select_n3A_48 = arith.select %ge3A_47, %or3A_14, %broadcast_in_dim3A_12 : vector<16x1xi1>, vector<16x1xi32>
    %or3A_49 = arith.constant 8192 : i32
    %or3A_50 = vector.broadcast %or3A_49 : i32 to vector<16x1xi32>
    %or3A_51 = arith.ori %select_n3A_48, %or3A_50 : vector<16x1xi32>
    %convert_element_type3A_52 = arith.trunci %or3A_51 : vector<16x1xi32> to vector<16x1xi16>
    %ge3A_53 = vector.broadcast %convert_element_type3A_52 : vector<16x1xi16> to vector<16x65536xi16>
    %ge3A_54 = arith.cmpi sge, %convert_element_type3A, %ge3A_53 : vector<16x65536xi16>
    %jit3A_55 = arith.constant 1 : i16
    %jit3A_56 = arith.constant 0 : i16
    %broadcast_in_dim3A_57 = vector.broadcast %jit3A_55 : i16 to vector<16x65536xi16>
    %broadcast_in_dim3A_58 = vector.broadcast %jit3A_56 : i16 to vector<16x65536xi16>
    %select_n3A_59 = arith.select %ge3A_54, %broadcast_in_dim3A_57, %broadcast_in_dim3A_58 : vector<16x65536xi1>, vector<16x65536xi16>
    %slice3A_60 = vector.extract_strided_slice %select_n3A_59 {offsets = [0, 0], sizes = [16, 32768], strides = [1, 1]} : vector<16x65536xi16> to vector<16x32768xi16>
    %slice3A_61 = vector.extract_strided_slice %select_n3A_59 {offsets = [0, 32768], sizes = [16, 32768], strides = [1, 1]} : vector<16x65536xi16> to vector<16x32768xi16>
    %add3A_62 = arith.addi %slice3A_60, %slice3A_61 : vector<16x32768xi16>
    %slice3A_63 = vector.extract_strided_slice %add3A_62 {offsets = [0, 0], sizes = [16, 16384], strides = [1, 1]} : vector<16x32768xi16> to vector<16x16384xi16>
    %slice3A_64 = vector.extract_strided_slice %add3A_62 {offsets = [0, 16384], sizes = [16, 16384], strides = [1, 1]} : vector<16x32768xi16> to vector<16x16384xi16>
    %add3A_65 = arith.addi %slice3A_63, %slice3A_64 : vector<16x16384xi16>
    %slice3A_66 = vector.extract_strided_slice %add3A_65 {offsets = [0, 0], sizes = [16, 8192], strides = [1, 1]} : vector<16x16384xi16> to vector<16x8192xi16>
    %slice3A_67 = vector.extract_strided_slice %add3A_65 {offsets = [0, 8192], sizes = [16, 8192], strides = [1, 1]} : vector<16x16384xi16> to vector<16x8192xi16>
    %add3A_68 = arith.addi %slice3A_66, %slice3A_67 : vector<16x8192xi16>
    %slice3A_69 = vector.extract_strided_slice %add3A_68 {offsets = [0, 0], sizes = [16, 4096], strides = [1, 1]} : vector<16x8192xi16> to vector<16x4096xi16>
    %slice3A_70 = vector.extract_strided_slice %add3A_68 {offsets = [0, 4096], sizes = [16, 4096], strides = [1, 1]} : vector<16x8192xi16> to vector<16x4096xi16>
    %add3A_71 = arith.addi %slice3A_69, %slice3A_70 : vector<16x4096xi16>
    %slice3A_72 = vector.extract_strided_slice %add3A_71 {offsets = [0, 0], sizes = [16, 2048], strides = [1, 1]} : vector<16x4096xi16> to vector<16x2048xi16>
    %slice3A_73 = vector.extract_strided_slice %add3A_71 {offsets = [0, 2048], sizes = [16, 2048], strides = [1, 1]} : vector<16x4096xi16> to vector<16x2048xi16>
    %add3A_74 = arith.addi %slice3A_72, %slice3A_73 : vector<16x2048xi16>
    %slice3A_75 = vector.extract_strided_slice %add3A_74 {offsets = [0, 0], sizes = [16, 1024], strides = [1, 1]} : vector<16x2048xi16> to vector<16x1024xi16>
    %slice3A_76 = vector.extract_strided_slice %add3A_74 {offsets = [0, 1024], sizes = [16, 1024], strides = [1, 1]} : vector<16x2048xi16> to vector<16x1024xi16>
    %add3A_77 = arith.addi %slice3A_75, %slice3A_76 : vector<16x1024xi16>
    %slice3A_78 = vector.extract_strided_slice %add3A_77 {offsets = [0, 0], sizes = [16, 512], strides = [1, 1]} : vector<16x1024xi16> to vector<16x512xi16>
    %slice3A_79 = vector.extract_strided_slice %add3A_77 {offsets = [0, 512], sizes = [16, 512], strides = [1, 1]} : vector<16x1024xi16> to vector<16x512xi16>
    %add3A_80 = arith.addi %slice3A_78, %slice3A_79 : vector<16x512xi16>
    %slice3A_81 = vector.extract_strided_slice %add3A_80 {offsets = [0, 0], sizes = [16, 256], strides = [1, 1]} : vector<16x512xi16> to vector<16x256xi16>
    %slice3A_82 = vector.extract_strided_slice %add3A_80 {offsets = [0, 256], sizes = [16, 256], strides = [1, 1]} : vector<16x512xi16> to vector<16x256xi16>
    %add3A_83 = arith.addi %slice3A_81, %slice3A_82 : vector<16x256xi16>
    %convert_element_type3A_84 = arith.extsi %add3A_83 : vector<16x256xi16> to vector<16x256xi32>
    %reduce_sum3A_85 = arith.constant dense<0> : vector<16xi32>
    %reduce_sum3A_86 = vector.multi_reduction <add>, %convert_element_type3A_84, %reduce_sum3A_85 [1] : vector<16x256xi32> to vector<16xi32>
    %broadcast_in_dim3A_87 = vector.shape_cast %reduce_sum3A_86 : vector<16xi32> to vector<16x1xi32>
    %ge3A_88 = arith.constant 3276 : i32
    %ge3A_89 = vector.broadcast %ge3A_88 : i32 to vector<16x1xi32>
    %ge3A_90 = arith.cmpi sge, %broadcast_in_dim3A_87, %ge3A_89 : vector<16x1xi32>
    %select_n3A_91 = arith.select %ge3A_90, %or3A_51, %select_n3A_48 : vector<16x1xi1>, vector<16x1xi32>
    %or3A_92 = arith.constant 4096 : i32
    %or3A_93 = vector.broadcast %or3A_92 : i32 to vector<16x1xi32>
    %or3A_94 = arith.ori %select_n3A_91, %or3A_93 : vector<16x1xi32>
    %convert_element_type3A_95 = arith.trunci %or3A_94 : vector<16x1xi32> to vector<16x1xi16>
    %ge3A_96 = vector.broadcast %convert_element_type3A_95 : vector<16x1xi16> to vector<16x65536xi16>
    %ge3A_97 = arith.cmpi sge, %convert_element_type3A, %ge3A_96 : vector<16x65536xi16>
    %jit3A_98 = arith.constant 1 : i16
    %jit3A_99 = arith.constant 0 : i16
    %broadcast_in_dim3A_100 = vector.broadcast %jit3A_98 : i16 to vector<16x65536xi16>
    %broadcast_in_dim3A_101 = vector.broadcast %jit3A_99 : i16 to vector<16x65536xi16>
    %select_n3A_102 = arith.select %ge3A_97, %broadcast_in_dim3A_100, %broadcast_in_dim3A_101 : vector<16x65536xi1>, vector<16x65536xi16>
    %slice3A_103 = vector.extract_strided_slice %select_n3A_102 {offsets = [0, 0], sizes = [16, 32768], strides = [1, 1]} : vector<16x65536xi16> to vector<16x32768xi16>
    %slice3A_104 = vector.extract_strided_slice %select_n3A_102 {offsets = [0, 32768], sizes = [16, 32768], strides = [1, 1]} : vector<16x65536xi16> to vector<16x32768xi16>
    %add3A_105 = arith.addi %slice3A_103, %slice3A_104 : vector<16x32768xi16>
    %slice3A_106 = vector.extract_strided_slice %add3A_105 {offsets = [0, 0], sizes = [16, 16384], strides = [1, 1]} : vector<16x32768xi16> to vector<16x16384xi16>
    %slice3A_107 = vector.extract_strided_slice %add3A_105 {offsets = [0, 16384], sizes = [16, 16384], strides = [1, 1]} : vector<16x32768xi16> to vector<16x16384xi16>
    %add3A_108 = arith.addi %slice3A_106, %slice3A_107 : vector<16x16384xi16>
    %slice3A_109 = vector.extract_strided_slice %add3A_108 {offsets = [0, 0], sizes = [16, 8192], strides = [1, 1]} : vector<16x16384xi16> to vector<16x8192xi16>
    %slice3A_110 = vector.extract_strided_slice %add3A_108 {offsets = [0, 8192], sizes = [16, 8192], strides = [1, 1]} : vector<16x16384xi16> to vector<16x8192xi16>
    %add3A_111 = arith.addi %slice3A_109, %slice3A_110 : vector<16x8192xi16>
    %slice3A_112 = vector.extract_strided_slice %add3A_111 {offsets = [0, 0], sizes = [16, 4096], strides = [1, 1]} : vector<16x8192xi16> to vector<16x4096xi16>
    %slice3A_113 = vector.extract_strided_slice %add3A_111 {offsets = [0, 4096], sizes = [16, 4096], strides = [1, 1]} : vector<16x8192xi16> to vector<16x4096xi16>
    %add3A_114 = arith.addi %slice3A_112, %slice3A_113 : vector<16x4096xi16>
    %slice3A_115 = vector.extract_strided_slice %add3A_114 {offsets = [0, 0], sizes = [16, 2048], strides = [1, 1]} : vector<16x4096xi16> to vector<16x2048xi16>
    %slice3A_116 = vector.extract_strided_slice %add3A_114 {offsets = [0, 2048], sizes = [16, 2048], strides = [1, 1]} : vector<16x4096xi16> to vector<16x2048xi16>
    %add3A_117 = arith.addi %slice3A_115, %slice3A_116 : vector<16x2048xi16>
    %slice3A_118 = vector.extract_strided_slice %add3A_117 {offsets = [0, 0], sizes = [16, 1024], strides = [1, 1]} : vector<16x2048xi16> to vector<16x1024xi16>
    %slice3A_119 = vector.extract_strided_slice %add3A_117 {offsets = [0, 1024], sizes = [16, 1024], strides = [1, 1]} : vector<16x2048xi16> to vector<16x1024xi16>
    %add3A_120 = arith.addi %slice3A_118, %slice3A_119 : vector<16x1024xi16>
    %slice3A_121 = vector.extract_strided_slice %add3A_120 {offsets = [0, 0], sizes = [16, 512], strides = [1, 1]} : vector<16x1024xi16> to vector<16x512xi16>
    %slice3A_122 = vector.extract_strided_slice %add3A_120 {offsets = [0, 512], sizes = [16, 512], strides = [1, 1]} : vector<16x1024xi16> to vector<16x512xi16>
    %add3A_123 = arith.addi %slice3A_121, %slice3A_122 : vector<16x512xi16>
    %slice3A_124 = vector.extract_strided_slice %add3A_123 {offsets = [0, 0], sizes = [16, 256], strides = [1, 1]} : vector<16x512xi16> to vector<16x256xi16>
    %slice3A_125 = vector.extract_strided_slice %add3A_123 {offsets = [0, 256], sizes = [16, 256], strides = [1, 1]} : vector<16x512xi16> to vector<16x256xi16>
    %add3A_126 = arith.addi %slice3A_124, %slice3A_125 : vector<16x256xi16>
    %convert_element_type3A_127 = arith.extsi %add3A_126 : vector<16x256xi16> to vector<16x256xi32>
    %reduce_sum3A_128 = arith.constant dense<0> : vector<16xi32>
    %reduce_sum3A_129 = vector.multi_reduction <add>, %convert_element_type3A_127, %reduce_sum3A_128 [1] : vector<16x256xi32> to vector<16xi32>
    %broadcast_in_dim3A_130 = vector.shape_cast %reduce_sum3A_129 : vector<16xi32> to vector<16x1xi32>
    %ge3A_131 = arith.constant 3276 : i32
    %ge3A_132 = vector.broadcast %ge3A_131 : i32 to vector<16x1xi32>
    %ge3A_133 = arith.cmpi sge, %broadcast_in_dim3A_130, %ge3A_132 : vector<16x1xi32>
    %select_n3A_134 = arith.select %ge3A_133, %or3A_94, %select_n3A_91 : vector<16x1xi1>, vector<16x1xi32>
    %or3A_135 = arith.constant 2048 : i32
    %or3A_136 = vector.broadcast %or3A_135 : i32 to vector<16x1xi32>
    %or3A_137 = arith.ori %select_n3A_134, %or3A_136 : vector<16x1xi32>
    %convert_element_type3A_138 = arith.trunci %or3A_137 : vector<16x1xi32> to vector<16x1xi16>
    %ge3A_139 = vector.broadcast %convert_element_type3A_138 : vector<16x1xi16> to vector<16x65536xi16>
    %ge3A_140 = arith.cmpi sge, %convert_element_type3A, %ge3A_139 : vector<16x65536xi16>
    %jit3A_141 = arith.constant 1 : i16
    %jit3A_142 = arith.constant 0 : i16
    %broadcast_in_dim3A_143 = vector.broadcast %jit3A_141 : i16 to vector<16x65536xi16>
    %broadcast_in_dim3A_144 = vector.broadcast %jit3A_142 : i16 to vector<16x65536xi16>
    %select_n3A_145 = arith.select %ge3A_140, %broadcast_in_dim3A_143, %broadcast_in_dim3A_144 : vector<16x65536xi1>, vector<16x65536xi16>
    %slice3A_146 = vector.extract_strided_slice %select_n3A_145 {offsets = [0, 0], sizes = [16, 32768], strides = [1, 1]} : vector<16x65536xi16> to vector<16x32768xi16>
    %slice3A_147 = vector.extract_strided_slice %select_n3A_145 {offsets = [0, 32768], sizes = [16, 32768], strides = [1, 1]} : vector<16x65536xi16> to vector<16x32768xi16>
    %add3A_148 = arith.addi %slice3A_146, %slice3A_147 : vector<16x32768xi16>
    %slice3A_149 = vector.extract_strided_slice %add3A_148 {offsets = [0, 0], sizes = [16, 16384], strides = [1, 1]} : vector<16x32768xi16> to vector<16x16384xi16>
    %slice3A_150 = vector.extract_strided_slice %add3A_148 {offsets = [0, 16384], sizes = [16, 16384], strides = [1, 1]} : vector<16x32768xi16> to vector<16x16384xi16>
    %add3A_151 = arith.addi %slice3A_149, %slice3A_150 : vector<16x16384xi16>
    %slice3A_152 = vector.extract_strided_slice %add3A_151 {offsets = [0, 0], sizes = [16, 8192], strides = [1, 1]} : vector<16x16384xi16> to vector<16x8192xi16>
    %slice3A_153 = vector.extract_strided_slice %add3A_151 {offsets = [0, 8192], sizes = [16, 8192], strides = [1, 1]} : vector<16x16384xi16> to vector<16x8192xi16>
    %add3A_154 = arith.addi %slice3A_152, %slice3A_153 : vector<16x8192xi16>
    %slice3A_155 = vector.extract_strided_slice %add3A_154 {offsets = [0, 0], sizes = [16, 4096], strides = [1, 1]} : vector<16x8192xi16> to vector<16x4096xi16>
    %slice3A_156 = vector.extract_strided_slice %add3A_154 {offsets = [0, 4096], sizes = [16, 4096], strides = [1, 1]} : vector<16x8192xi16> to vector<16x4096xi16>
    %add3A_157 = arith.addi %slice3A_155, %slice3A_156 : vector<16x4096xi16>
    %slice3A_158 = vector.extract_strided_slice %add3A_157 {offsets = [0, 0], sizes = [16, 2048], strides = [1, 1]} : vector<16x4096xi16> to vector<16x2048xi16>
    %slice3A_159 = vector.extract_strided_slice %add3A_157 {offsets = [0, 2048], sizes = [16, 2048], strides = [1, 1]} : vector<16x4096xi16> to vector<16x2048xi16>
    %add3A_160 = arith.addi %slice3A_158, %slice3A_159 : vector<16x2048xi16>
    %slice3A_161 = vector.extract_strided_slice %add3A_160 {offsets = [0, 0], sizes = [16, 1024], strides = [1, 1]} : vector<16x2048xi16> to vector<16x1024xi16>
    %slice3A_162 = vector.extract_strided_slice %add3A_160 {offsets = [0, 1024], sizes = [16, 1024], strides = [1, 1]} : vector<16x2048xi16> to vector<16x1024xi16>
    %add3A_163 = arith.addi %slice3A_161, %slice3A_162 : vector<16x1024xi16>
    %slice3A_164 = vector.extract_strided_slice %add3A_163 {offsets = [0, 0], sizes = [16, 512], strides = [1, 1]} : vector<16x1024xi16> to vector<16x512xi16>
    %slice3A_165 = vector.extract_strided_slice %add3A_163 {offsets = [0, 512], sizes = [16, 512], strides = [1, 1]} : vector<16x1024xi16> to vector<16x512xi16>
    %add3A_166 = arith.addi %slice3A_164, %slice3A_165 : vector<16x512xi16>
    %slice3A_167 = vector.extract_strided_slice %add3A_166 {offsets = [0, 0], sizes = [16, 256], strides = [1, 1]} : vector<16x512xi16> to vector<16x256xi16>
    %slice3A_168 = vector.extract_strided_slice %add3A_166 {offsets = [0, 256], sizes = [16, 256], strides = [1, 1]} : vector<16x512xi16> to vector<16x256xi16>
    %add3A_169 = arith.addi %slice3A_167, %slice3A_168 : vector<16x256xi16>
    %convert_element_type3A_170 = arith.extsi %add3A_169 : vector<16x256xi16> to vector<16x256xi32>
    %reduce_sum3A_171 = arith.constant dense<0> : vector<16xi32>
    %reduce_sum3A_172 = vector.multi_reduction <add>, %convert_element_type3A_170, %reduce_sum3A_171 [1] : vector<16x256xi32> to vector<16xi32>
    %broadcast_in_dim3A_173 = vector.shape_cast %reduce_sum3A_172 : vector<16xi32> to vector<16x1xi32>
    %ge3A_174 = arith.constant 3276 : i32
    %ge3A_175 = vector.broadcast %ge3A_174 : i32 to vector<16x1xi32>
    %ge3A_176 = arith.cmpi sge, %broadcast_in_dim3A_173, %ge3A_175 : vector<16x1xi32>
    %select_n3A_177 = arith.select %ge3A_176, %or3A_137, %select_n3A_134 : vector<16x1xi1>, vector<16x1xi32>
    %or3A_178 = arith.constant 1024 : i32
    %or3A_179 = vector.broadcast %or3A_178 : i32 to vector<16x1xi32>
    %or3A_180 = arith.ori %select_n3A_177, %or3A_179 : vector<16x1xi32>
    %convert_element_type3A_181 = arith.trunci %or3A_180 : vector<16x1xi32> to vector<16x1xi16>
    %ge3A_182 = vector.broadcast %convert_element_type3A_181 : vector<16x1xi16> to vector<16x65536xi16>
    %ge3A_183 = arith.cmpi sge, %convert_element_type3A, %ge3A_182 : vector<16x65536xi16>
    %jit3A_184 = arith.constant 1 : i16
    %jit3A_185 = arith.constant 0 : i16
    %broadcast_in_dim3A_186 = vector.broadcast %jit3A_184 : i16 to vector<16x65536xi16>
    %broadcast_in_dim3A_187 = vector.broadcast %jit3A_185 : i16 to vector<16x65536xi16>
    %select_n3A_188 = arith.select %ge3A_183, %broadcast_in_dim3A_186, %broadcast_in_dim3A_187 : vector<16x65536xi1>, vector<16x65536xi16>
    %slice3A_189 = vector.extract_strided_slice %select_n3A_188 {offsets = [0, 0], sizes = [16, 32768], strides = [1, 1]} : vector<16x65536xi16> to vector<16x32768xi16>
    %slice3A_190 = vector.extract_strided_slice %select_n3A_188 {offsets = [0, 32768], sizes = [16, 32768], strides = [1, 1]} : vector<16x65536xi16> to vector<16x32768xi16>
    %add3A_191 = arith.addi %slice3A_189, %slice3A_190 : vector<16x32768xi16>
    %slice3A_192 = vector.extract_strided_slice %add3A_191 {offsets = [0, 0], sizes = [16, 16384], strides = [1, 1]} : vector<16x32768xi16> to vector<16x16384xi16>
    %slice3A_193 = vector.extract_strided_slice %add3A_191 {offsets = [0, 16384], sizes = [16, 16384], strides = [1, 1]} : vector<16x32768xi16> to vector<16x16384xi16>
    %add3A_194 = arith.addi %slice3A_192, %slice3A_193 : vector<16x16384xi16>
    %slice3A_195 = vector.extract_strided_slice %add3A_194 {offsets = [0, 0], sizes = [16, 8192], strides = [1, 1]} : vector<16x16384xi16> to vector<16x8192xi16>
    %slice3A_196 = vector.extract_strided_slice %add3A_194 {offsets = [0, 8192], sizes = [16, 8192], strides = [1, 1]} : vector<16x16384xi16> to vector<16x8192xi16>
    %add3A_197 = arith.addi %slice3A_195, %slice3A_196 : vector<16x8192xi16>
    %slice3A_198 = vector.extract_strided_slice %add3A_197 {offsets = [0, 0], sizes = [16, 4096], strides = [1, 1]} : vector<16x8192xi16> to vector<16x4096xi16>
    %slice3A_199 = vector.extract_strided_slice %add3A_197 {offsets = [0, 4096], sizes = [16, 4096], strides = [1, 1]} : vector<16x8192xi16> to vector<16x4096xi16>
    %add3A_200 = arith.addi %slice3A_198, %slice3A_199 : vector<16x4096xi16>
    %slice3A_201 = vector.extract_strided_slice %add3A_200 {offsets = [0, 0], sizes = [16, 2048], strides = [1, 1]} : vector<16x4096xi16> to vector<16x2048xi16>
    %slice3A_202 = vector.extract_strided_slice %add3A_200 {offsets = [0, 2048], sizes = [16, 2048], strides = [1, 1]} : vector<16x4096xi16> to vector<16x2048xi16>
    %add3A_203 = arith.addi %slice3A_201, %slice3A_202 : vector<16x2048xi16>
    %slice3A_204 = vector.extract_strided_slice %add3A_203 {offsets = [0, 0], sizes = [16, 1024], strides = [1, 1]} : vector<16x2048xi16> to vector<16x1024xi16>
    %slice3A_205 = vector.extract_strided_slice %add3A_203 {offsets = [0, 1024], sizes = [16, 1024], strides = [1, 1]} : vector<16x2048xi16> to vector<16x1024xi16>
    %add3A_206 = arith.addi %slice3A_204, %slice3A_205 : vector<16x1024xi16>
    %slice3A_207 = vector.extract_strided_slice %add3A_206 {offsets = [0, 0], sizes = [16, 512], strides = [1, 1]} : vector<16x1024xi16> to vector<16x512xi16>
    %slice3A_208 = vector.extract_strided_slice %add3A_206 {offsets = [0, 512], sizes = [16, 512], strides = [1, 1]} : vector<16x1024xi16> to vector<16x512xi16>
    %add3A_209 = arith.addi %slice3A_207, %slice3A_208 : vector<16x512xi16>
    %slice3A_210 = vector.extract_strided_slice %add3A_209 {offsets = [0, 0], sizes = [16, 256], strides = [1, 1]} : vector<16x512xi16> to vector<16x256xi16>
    %slice3A_211 = vector.extract_strided_slice %add3A_209 {offsets = [0, 256], sizes = [16, 256], strides = [1, 1]} : vector<16x512xi16> to vector<16x256xi16>
    %add3A_212 = arith.addi %slice3A_210, %slice3A_211 : vector<16x256xi16>
    %convert_element_type3A_213 = arith.extsi %add3A_212 : vector<16x256xi16> to vector<16x256xi32>
    %reduce_sum3A_214 = arith.constant dense<0> : vector<16xi32>
    %reduce_sum3A_215 = vector.multi_reduction <add>, %convert_element_type3A_213, %reduce_sum3A_214 [1] : vector<16x256xi32> to vector<16xi32>
    %broadcast_in_dim3A_216 = vector.shape_cast %reduce_sum3A_215 : vector<16xi32> to vector<16x1xi32>
    %ge3A_217 = arith.constant 3276 : i32
    %ge3A_218 = vector.broadcast %ge3A_217 : i32 to vector<16x1xi32>
    %ge3A_219 = arith.cmpi sge, %broadcast_in_dim3A_216, %ge3A_218 : vector<16x1xi32>
    %select_n3A_220 = arith.select %ge3A_219, %or3A_180, %select_n3A_177 : vector<16x1xi1>, vector<16x1xi32>
    %or3A_221 = arith.constant 512 : i32
    %or3A_222 = vector.broadcast %or3A_221 : i32 to vector<16x1xi32>
    %or3A_223 = arith.ori %select_n3A_220, %or3A_222 : vector<16x1xi32>
    %convert_element_type3A_224 = arith.trunci %or3A_223 : vector<16x1xi32> to vector<16x1xi16>
    %ge3A_225 = vector.broadcast %convert_element_type3A_224 : vector<16x1xi16> to vector<16x65536xi16>
    %ge3A_226 = arith.cmpi sge, %convert_element_type3A, %ge3A_225 : vector<16x65536xi16>
    %jit3A_227 = arith.constant 1 : i16
    %jit3A_228 = arith.constant 0 : i16
    %broadcast_in_dim3A_229 = vector.broadcast %jit3A_227 : i16 to vector<16x65536xi16>
    %broadcast_in_dim3A_230 = vector.broadcast %jit3A_228 : i16 to vector<16x65536xi16>
    %select_n3A_231 = arith.select %ge3A_226, %broadcast_in_dim3A_229, %broadcast_in_dim3A_230 : vector<16x65536xi1>, vector<16x65536xi16>
    %slice3A_232 = vector.extract_strided_slice %select_n3A_231 {offsets = [0, 0], sizes = [16, 32768], strides = [1, 1]} : vector<16x65536xi16> to vector<16x32768xi16>
    %slice3A_233 = vector.extract_strided_slice %select_n3A_231 {offsets = [0, 32768], sizes = [16, 32768], strides = [1, 1]} : vector<16x65536xi16> to vector<16x32768xi16>
    %add3A_234 = arith.addi %slice3A_232, %slice3A_233 : vector<16x32768xi16>
    %slice3A_235 = vector.extract_strided_slice %add3A_234 {offsets = [0, 0], sizes = [16, 16384], strides = [1, 1]} : vector<16x32768xi16> to vector<16x16384xi16>
    %slice3A_236 = vector.extract_strided_slice %add3A_234 {offsets = [0, 16384], sizes = [16, 16384], strides = [1, 1]} : vector<16x32768xi16> to vector<16x16384xi16>
    %add3A_237 = arith.addi %slice3A_235, %slice3A_236 : vector<16x16384xi16>
    %slice3A_238 = vector.extract_strided_slice %add3A_237 {offsets = [0, 0], sizes = [16, 8192], strides = [1, 1]} : vector<16x16384xi16> to vector<16x8192xi16>
    %slice3A_239 = vector.extract_strided_slice %add3A_237 {offsets = [0, 8192], sizes = [16, 8192], strides = [1, 1]} : vector<16x16384xi16> to vector<16x8192xi16>
    %add3A_240 = arith.addi %slice3A_238, %slice3A_239 : vector<16x8192xi16>
    %slice3A_241 = vector.extract_strided_slice %add3A_240 {offsets = [0, 0], sizes = [16, 4096], strides = [1, 1]} : vector<16x8192xi16> to vector<16x4096xi16>
    %slice3A_242 = vector.extract_strided_slice %add3A_240 {offsets = [0, 4096], sizes = [16, 4096], strides = [1, 1]} : vector<16x8192xi16> to vector<16x4096xi16>
    %add3A_243 = arith.addi %slice3A_241, %slice3A_242 : vector<16x4096xi16>
    %slice3A_244 = vector.extract_strided_slice %add3A_243 {offsets = [0, 0], sizes = [16, 2048], strides = [1, 1]} : vector<16x4096xi16> to vector<16x2048xi16>
    %slice3A_245 = vector.extract_strided_slice %add3A_243 {offsets = [0, 2048], sizes = [16, 2048], strides = [1, 1]} : vector<16x4096xi16> to vector<16x2048xi16>
    %add3A_246 = arith.addi %slice3A_244, %slice3A_245 : vector<16x2048xi16>
    %slice3A_247 = vector.extract_strided_slice %add3A_246 {offsets = [0, 0], sizes = [16, 1024], strides = [1, 1]} : vector<16x2048xi16> to vector<16x1024xi16>
    %slice3A_248 = vector.extract_strided_slice %add3A_246 {offsets = [0, 1024], sizes = [16, 1024], strides = [1, 1]} : vector<16x2048xi16> to vector<16x1024xi16>
    %add3A_249 = arith.addi %slice3A_247, %slice3A_248 : vector<16x1024xi16>
    %slice3A_250 = vector.extract_strided_slice %add3A_249 {offsets = [0, 0], sizes = [16, 512], strides = [1, 1]} : vector<16x1024xi16> to vector<16x512xi16>
    %slice3A_251 = vector.extract_strided_slice %add3A_249 {offsets = [0, 512], sizes = [16, 512], strides = [1, 1]} : vector<16x1024xi16> to vector<16x512xi16>
    %add3A_252 = arith.addi %slice3A_250, %slice3A_251 : vector<16x512xi16>
    %slice3A_253 = vector.extract_strided_slice %add3A_252 {offsets = [0, 0], sizes = [16, 256], strides = [1, 1]} : vector<16x512xi16> to vector<16x256xi16>
    %slice3A_254 = vector.extract_strided_slice %add3A_252 {offsets = [0, 256], sizes = [16, 256], strides = [1, 1]} : vector<16x512xi16> to vector<16x256xi16>
    %add3A_255 = arith.addi %slice3A_253, %slice3A_254 : vector<16x256xi16>
    %convert_element_type3A_256 = arith.extsi %add3A_255 : vector<16x256xi16> to vector<16x256xi32>
    %reduce_sum3A_257 = arith.constant dense<0> : vector<16xi32>
    %reduce_sum3A_258 = vector.multi_reduction <add>, %convert_element_type3A_256, %reduce_sum3A_257 [1] : vector<16x256xi32> to vector<16xi32>
    %broadcast_in_dim3A_259 = vector.shape_cast %reduce_sum3A_258 : vector<16xi32> to vector<16x1xi32>
    %ge3A_260 = arith.constant 3276 : i32
    %ge3A_261 = vector.broadcast %ge3A_260 : i32 to vector<16x1xi32>
    %ge3A_262 = arith.cmpi sge, %broadcast_in_dim3A_259, %ge3A_261 : vector<16x1xi32>
    %select_n3A_263 = arith.select %ge3A_262, %or3A_223, %select_n3A_220 : vector<16x1xi1>, vector<16x1xi32>
    %or3A_264 = arith.constant 256 : i32
    %or3A_265 = vector.broadcast %or3A_264 : i32 to vector<16x1xi32>
    %or3A_266 = arith.ori %select_n3A_263, %or3A_265 : vector<16x1xi32>
    %convert_element_type3A_267 = arith.trunci %or3A_266 : vector<16x1xi32> to vector<16x1xi16>
    %ge3A_268 = vector.broadcast %convert_element_type3A_267 : vector<16x1xi16> to vector<16x65536xi16>
    %ge3A_269 = arith.cmpi sge, %convert_element_type3A, %ge3A_268 : vector<16x65536xi16>
    %jit3A_270 = arith.constant 1 : i16
    %jit3A_271 = arith.constant 0 : i16
    %broadcast_in_dim3A_272 = vector.broadcast %jit3A_270 : i16 to vector<16x65536xi16>
    %broadcast_in_dim3A_273 = vector.broadcast %jit3A_271 : i16 to vector<16x65536xi16>
    %select_n3A_274 = arith.select %ge3A_269, %broadcast_in_dim3A_272, %broadcast_in_dim3A_273 : vector<16x65536xi1>, vector<16x65536xi16>
    %slice3A_275 = vector.extract_strided_slice %select_n3A_274 {offsets = [0, 0], sizes = [16, 32768], strides = [1, 1]} : vector<16x65536xi16> to vector<16x32768xi16>
    %slice3A_276 = vector.extract_strided_slice %select_n3A_274 {offsets = [0, 32768], sizes = [16, 32768], strides = [1, 1]} : vector<16x65536xi16> to vector<16x32768xi16>
    %add3A_277 = arith.addi %slice3A_275, %slice3A_276 : vector<16x32768xi16>
    %slice3A_278 = vector.extract_strided_slice %add3A_277 {offsets = [0, 0], sizes = [16, 16384], strides = [1, 1]} : vector<16x32768xi16> to vector<16x16384xi16>
    %slice3A_279 = vector.extract_strided_slice %add3A_277 {offsets = [0, 16384], sizes = [16, 16384], strides = [1, 1]} : vector<16x32768xi16> to vector<16x16384xi16>
    %add3A_280 = arith.addi %slice3A_278, %slice3A_279 : vector<16x16384xi16>
    %slice3A_281 = vector.extract_strided_slice %add3A_280 {offsets = [0, 0], sizes = [16, 8192], strides = [1, 1]} : vector<16x16384xi16> to vector<16x8192xi16>
    %slice3A_282 = vector.extract_strided_slice %add3A_280 {offsets = [0, 8192], sizes = [16, 8192], strides = [1, 1]} : vector<16x16384xi16> to vector<16x8192xi16>
    %add3A_283 = arith.addi %slice3A_281, %slice3A_282 : vector<16x8192xi16>
    %slice3A_284 = vector.extract_strided_slice %add3A_283 {offsets = [0, 0], sizes = [16, 4096], strides = [1, 1]} : vector<16x8192xi16> to vector<16x4096xi16>
    %slice3A_285 = vector.extract_strided_slice %add3A_283 {offsets = [0, 4096], sizes = [16, 4096], strides = [1, 1]} : vector<16x8192xi16> to vector<16x4096xi16>
    %add3A_286 = arith.addi %slice3A_284, %slice3A_285 : vector<16x4096xi16>
    %slice3A_287 = vector.extract_strided_slice %add3A_286 {offsets = [0, 0], sizes = [16, 2048], strides = [1, 1]} : vector<16x4096xi16> to vector<16x2048xi16>
    %slice3A_288 = vector.extract_strided_slice %add3A_286 {offsets = [0, 2048], sizes = [16, 2048], strides = [1, 1]} : vector<16x4096xi16> to vector<16x2048xi16>
    %add3A_289 = arith.addi %slice3A_287, %slice3A_288 : vector<16x2048xi16>
    %slice3A_290 = vector.extract_strided_slice %add3A_289 {offsets = [0, 0], sizes = [16, 1024], strides = [1, 1]} : vector<16x2048xi16> to vector<16x1024xi16>
    %slice3A_291 = vector.extract_strided_slice %add3A_289 {offsets = [0, 1024], sizes = [16, 1024], strides = [1, 1]} : vector<16x2048xi16> to vector<16x1024xi16>
    %add3A_292 = arith.addi %slice3A_290, %slice3A_291 : vector<16x1024xi16>
    %slice3A_293 = vector.extract_strided_slice %add3A_292 {offsets = [0, 0], sizes = [16, 512], strides = [1, 1]} : vector<16x1024xi16> to vector<16x512xi16>
    %slice3A_294 = vector.extract_strided_slice %add3A_292 {offsets = [0, 512], sizes = [16, 512], strides = [1, 1]} : vector<16x1024xi16> to vector<16x512xi16>
    %add3A_295 = arith.addi %slice3A_293, %slice3A_294 : vector<16x512xi16>
    %slice3A_296 = vector.extract_strided_slice %add3A_295 {offsets = [0, 0], sizes = [16, 256], strides = [1, 1]} : vector<16x512xi16> to vector<16x256xi16>
    %slice3A_297 = vector.extract_strided_slice %add3A_295 {offsets = [0, 256], sizes = [16, 256], strides = [1, 1]} : vector<16x512xi16> to vector<16x256xi16>
    %add3A_298 = arith.addi %slice3A_296, %slice3A_297 : vector<16x256xi16>
    %convert_element_type3A_299 = arith.extsi %add3A_298 : vector<16x256xi16> to vector<16x256xi32>
    %reduce_sum3A_300 = arith.constant dense<0> : vector<16xi32>
    %reduce_sum3A_301 = vector.multi_reduction <add>, %convert_element_type3A_299, %reduce_sum3A_300 [1] : vector<16x256xi32> to vector<16xi32>
    %broadcast_in_dim3A_302 = vector.shape_cast %reduce_sum3A_301 : vector<16xi32> to vector<16x1xi32>
    %ge3A_303 = arith.constant 3276 : i32
    %ge3A_304 = vector.broadcast %ge3A_303 : i32 to vector<16x1xi32>
    %ge3A_305 = arith.cmpi sge, %broadcast_in_dim3A_302, %ge3A_304 : vector<16x1xi32>
    %select_n3A_306 = arith.select %ge3A_305, %or3A_266, %select_n3A_263 : vector<16x1xi1>, vector<16x1xi32>
    %or3A_307 = arith.constant 128 : i32
    %or3A_308 = vector.broadcast %or3A_307 : i32 to vector<16x1xi32>
    %or3A_309 = arith.ori %select_n3A_306, %or3A_308 : vector<16x1xi32>
    %convert_element_type3A_310 = arith.trunci %or3A_309 : vector<16x1xi32> to vector<16x1xi16>
    %ge3A_311 = vector.broadcast %convert_element_type3A_310 : vector<16x1xi16> to vector<16x65536xi16>
    %ge3A_312 = arith.cmpi sge, %convert_element_type3A, %ge3A_311 : vector<16x65536xi16>
    %jit3A_313 = arith.constant 1 : i16
    %jit3A_314 = arith.constant 0 : i16
    %broadcast_in_dim3A_315 = vector.broadcast %jit3A_313 : i16 to vector<16x65536xi16>
    %broadcast_in_dim3A_316 = vector.broadcast %jit3A_314 : i16 to vector<16x65536xi16>
    %select_n3A_317 = arith.select %ge3A_312, %broadcast_in_dim3A_315, %broadcast_in_dim3A_316 : vector<16x65536xi1>, vector<16x65536xi16>
    %slice3A_318 = vector.extract_strided_slice %select_n3A_317 {offsets = [0, 0], sizes = [16, 32768], strides = [1, 1]} : vector<16x65536xi16> to vector<16x32768xi16>
    %slice3A_319 = vector.extract_strided_slice %select_n3A_317 {offsets = [0, 32768], sizes = [16, 32768], strides = [1, 1]} : vector<16x65536xi16> to vector<16x32768xi16>
    %add3A_320 = arith.addi %slice3A_318, %slice3A_319 : vector<16x32768xi16>
    %slice3A_321 = vector.extract_strided_slice %add3A_320 {offsets = [0, 0], sizes = [16, 16384], strides = [1, 1]} : vector<16x32768xi16> to vector<16x16384xi16>
    %slice3A_322 = vector.extract_strided_slice %add3A_320 {offsets = [0, 16384], sizes = [16, 16384], strides = [1, 1]} : vector<16x32768xi16> to vector<16x16384xi16>
    %add3A_323 = arith.addi %slice3A_321, %slice3A_322 : vector<16x16384xi16>
    %slice3A_324 = vector.extract_strided_slice %add3A_323 {offsets = [0, 0], sizes = [16, 8192], strides = [1, 1]} : vector<16x16384xi16> to vector<16x8192xi16>
    %slice3A_325 = vector.extract_strided_slice %add3A_323 {offsets = [0, 8192], sizes = [16, 8192], strides = [1, 1]} : vector<16x16384xi16> to vector<16x8192xi16>
    %add3A_326 = arith.addi %slice3A_324, %slice3A_325 : vector<16x8192xi16>
    %slice3A_327 = vector.extract_strided_slice %add3A_326 {offsets = [0, 0], sizes = [16, 4096], strides = [1, 1]} : vector<16x8192xi16> to vector<16x4096xi16>
    %slice3A_328 = vector.extract_strided_slice %add3A_326 {offsets = [0, 4096], sizes = [16, 4096], strides = [1, 1]} : vector<16x8192xi16> to vector<16x4096xi16>
    %add3A_329 = arith.addi %slice3A_327, %slice3A_328 : vector<16x4096xi16>
    %slice3A_330 = vector.extract_strided_slice %add3A_329 {offsets = [0, 0], sizes = [16, 2048], strides = [1, 1]} : vector<16x4096xi16> to vector<16x2048xi16>
    %slice3A_331 = vector.extract_strided_slice %add3A_329 {offsets = [0, 2048], sizes = [16, 2048], strides = [1, 1]} : vector<16x4096xi16> to vector<16x2048xi16>
    %add3A_332 = arith.addi %slice3A_330, %slice3A_331 : vector<16x2048xi16>
    %slice3A_333 = vector.extract_strided_slice %add3A_332 {offsets = [0, 0], sizes = [16, 1024], strides = [1, 1]} : vector<16x2048xi16> to vector<16x1024xi16>
    %slice3A_334 = vector.extract_strided_slice %add3A_332 {offsets = [0, 1024], sizes = [16, 1024], strides = [1, 1]} : vector<16x2048xi16> to vector<16x1024xi16>
    %add3A_335 = arith.addi %slice3A_333, %slice3A_334 : vector<16x1024xi16>
    %slice3A_336 = vector.extract_strided_slice %add3A_335 {offsets = [0, 0], sizes = [16, 512], strides = [1, 1]} : vector<16x1024xi16> to vector<16x512xi16>
    %slice3A_337 = vector.extract_strided_slice %add3A_335 {offsets = [0, 512], sizes = [16, 512], strides = [1, 1]} : vector<16x1024xi16> to vector<16x512xi16>
    %add3A_338 = arith.addi %slice3A_336, %slice3A_337 : vector<16x512xi16>
    %slice3A_339 = vector.extract_strided_slice %add3A_338 {offsets = [0, 0], sizes = [16, 256], strides = [1, 1]} : vector<16x512xi16> to vector<16x256xi16>
    %slice3A_340 = vector.extract_strided_slice %add3A_338 {offsets = [0, 256], sizes = [16, 256], strides = [1, 1]} : vector<16x512xi16> to vector<16x256xi16>
    %add3A_341 = arith.addi %slice3A_339, %slice3A_340 : vector<16x256xi16>
    %convert_element_type3A_342 = arith.extsi %add3A_341 : vector<16x256xi16> to vector<16x256xi32>
    %reduce_sum3A_343 = arith.constant dense<0> : vector<16xi32>
    %reduce_sum3A_344 = vector.multi_reduction <add>, %convert_element_type3A_342, %reduce_sum3A_343 [1] : vector<16x256xi32> to vector<16xi32>
    %broadcast_in_dim3A_345 = vector.shape_cast %reduce_sum3A_344 : vector<16xi32> to vector<16x1xi32>
    %ge3A_346 = arith.constant 3276 : i32
    %ge3A_347 = vector.broadcast %ge3A_346 : i32 to vector<16x1xi32>
    %ge3A_348 = arith.cmpi sge, %broadcast_in_dim3A_345, %ge3A_347 : vector<16x1xi32>
    %select_n3A_349 = arith.select %ge3A_348, %or3A_309, %select_n3A_306 : vector<16x1xi1>, vector<16x1xi32>
    %or3A_350 = arith.constant 64 : i32
    %or3A_351 = vector.broadcast %or3A_350 : i32 to vector<16x1xi32>
    %or3A_352 = arith.ori %select_n3A_349, %or3A_351 : vector<16x1xi32>
    %convert_element_type3A_353 = arith.trunci %or3A_352 : vector<16x1xi32> to vector<16x1xi16>
    %ge3A_354 = vector.broadcast %convert_element_type3A_353 : vector<16x1xi16> to vector<16x65536xi16>
    %ge3A_355 = arith.cmpi sge, %convert_element_type3A, %ge3A_354 : vector<16x65536xi16>
    %jit3A_356 = arith.constant 1 : i16
    %jit3A_357 = arith.constant 0 : i16
    %broadcast_in_dim3A_358 = vector.broadcast %jit3A_356 : i16 to vector<16x65536xi16>
    %broadcast_in_dim3A_359 = vector.broadcast %jit3A_357 : i16 to vector<16x65536xi16>
    %select_n3A_360 = arith.select %ge3A_355, %broadcast_in_dim3A_358, %broadcast_in_dim3A_359 : vector<16x65536xi1>, vector<16x65536xi16>
    %slice3A_361 = vector.extract_strided_slice %select_n3A_360 {offsets = [0, 0], sizes = [16, 32768], strides = [1, 1]} : vector<16x65536xi16> to vector<16x32768xi16>
    %slice3A_362 = vector.extract_strided_slice %select_n3A_360 {offsets = [0, 32768], sizes = [16, 32768], strides = [1, 1]} : vector<16x65536xi16> to vector<16x32768xi16>
    %add3A_363 = arith.addi %slice3A_361, %slice3A_362 : vector<16x32768xi16>
    %slice3A_364 = vector.extract_strided_slice %add3A_363 {offsets = [0, 0], sizes = [16, 16384], strides = [1, 1]} : vector<16x32768xi16> to vector<16x16384xi16>
    %slice3A_365 = vector.extract_strided_slice %add3A_363 {offsets = [0, 16384], sizes = [16, 16384], strides = [1, 1]} : vector<16x32768xi16> to vector<16x16384xi16>
    %add3A_366 = arith.addi %slice3A_364, %slice3A_365 : vector<16x16384xi16>
    %slice3A_367 = vector.extract_strided_slice %add3A_366 {offsets = [0, 0], sizes = [16, 8192], strides = [1, 1]} : vector<16x16384xi16> to vector<16x8192xi16>
    %slice3A_368 = vector.extract_strided_slice %add3A_366 {offsets = [0, 8192], sizes = [16, 8192], strides = [1, 1]} : vector<16x16384xi16> to vector<16x8192xi16>
    %add3A_369 = arith.addi %slice3A_367, %slice3A_368 : vector<16x8192xi16>
    %slice3A_370 = vector.extract_strided_slice %add3A_369 {offsets = [0, 0], sizes = [16, 4096], strides = [1, 1]} : vector<16x8192xi16> to vector<16x4096xi16>
    %slice3A_371 = vector.extract_strided_slice %add3A_369 {offsets = [0, 4096], sizes = [16, 4096], strides = [1, 1]} : vector<16x8192xi16> to vector<16x4096xi16>
    %add3A_372 = arith.addi %slice3A_370, %slice3A_371 : vector<16x4096xi16>
    %slice3A_373 = vector.extract_strided_slice %add3A_372 {offsets = [0, 0], sizes = [16, 2048], strides = [1, 1]} : vector<16x4096xi16> to vector<16x2048xi16>
    %slice3A_374 = vector.extract_strided_slice %add3A_372 {offsets = [0, 2048], sizes = [16, 2048], strides = [1, 1]} : vector<16x4096xi16> to vector<16x2048xi16>
    %add3A_375 = arith.addi %slice3A_373, %slice3A_374 : vector<16x2048xi16>
    %slice3A_376 = vector.extract_strided_slice %add3A_375 {offsets = [0, 0], sizes = [16, 1024], strides = [1, 1]} : vector<16x2048xi16> to vector<16x1024xi16>
    %slice3A_377 = vector.extract_strided_slice %add3A_375 {offsets = [0, 1024], sizes = [16, 1024], strides = [1, 1]} : vector<16x2048xi16> to vector<16x1024xi16>
    %add3A_378 = arith.addi %slice3A_376, %slice3A_377 : vector<16x1024xi16>
    %slice3A_379 = vector.extract_strided_slice %add3A_378 {offsets = [0, 0], sizes = [16, 512], strides = [1, 1]} : vector<16x1024xi16> to vector<16x512xi16>
    %slice3A_380 = vector.extract_strided_slice %add3A_378 {offsets = [0, 512], sizes = [16, 512], strides = [1, 1]} : vector<16x1024xi16> to vector<16x512xi16>
    %add3A_381 = arith.addi %slice3A_379, %slice3A_380 : vector<16x512xi16>
    %slice3A_382 = vector.extract_strided_slice %add3A_381 {offsets = [0, 0], sizes = [16, 256], strides = [1, 1]} : vector<16x512xi16> to vector<16x256xi16>
    %slice3A_383 = vector.extract_strided_slice %add3A_381 {offsets = [0, 256], sizes = [16, 256], strides = [1, 1]} : vector<16x512xi16> to vector<16x256xi16>
    %add3A_384 = arith.addi %slice3A_382, %slice3A_383 : vector<16x256xi16>
    %convert_element_type3A_385 = arith.extsi %add3A_384 : vector<16x256xi16> to vector<16x256xi32>
    %reduce_sum3A_386 = arith.constant dense<0> : vector<16xi32>
    %reduce_sum3A_387 = vector.multi_reduction <add>, %convert_element_type3A_385, %reduce_sum3A_386 [1] : vector<16x256xi32> to vector<16xi32>
    %broadcast_in_dim3A_388 = vector.shape_cast %reduce_sum3A_387 : vector<16xi32> to vector<16x1xi32>
    %ge3A_389 = arith.constant 3276 : i32
    %ge3A_390 = vector.broadcast %ge3A_389 : i32 to vector<16x1xi32>
    %ge3A_391 = arith.cmpi sge, %broadcast_in_dim3A_388, %ge3A_390 : vector<16x1xi32>
    %select_n3A_392 = arith.select %ge3A_391, %or3A_352, %select_n3A_349 : vector<16x1xi1>, vector<16x1xi32>
    %or3A_393 = arith.constant 32 : i32
    %or3A_394 = vector.broadcast %or3A_393 : i32 to vector<16x1xi32>
    %or3A_395 = arith.ori %select_n3A_392, %or3A_394 : vector<16x1xi32>
    %convert_element_type3A_396 = arith.trunci %or3A_395 : vector<16x1xi32> to vector<16x1xi16>
    %ge3A_397 = vector.broadcast %convert_element_type3A_396 : vector<16x1xi16> to vector<16x65536xi16>
    %ge3A_398 = arith.cmpi sge, %convert_element_type3A, %ge3A_397 : vector<16x65536xi16>
    %jit3A_399 = arith.constant 1 : i16
    %jit3A_400 = arith.constant 0 : i16
    %broadcast_in_dim3A_401 = vector.broadcast %jit3A_399 : i16 to vector<16x65536xi16>
    %broadcast_in_dim3A_402 = vector.broadcast %jit3A_400 : i16 to vector<16x65536xi16>
    %select_n3A_403 = arith.select %ge3A_398, %broadcast_in_dim3A_401, %broadcast_in_dim3A_402 : vector<16x65536xi1>, vector<16x65536xi16>
    %slice3A_404 = vector.extract_strided_slice %select_n3A_403 {offsets = [0, 0], sizes = [16, 32768], strides = [1, 1]} : vector<16x65536xi16> to vector<16x32768xi16>
    %slice3A_405 = vector.extract_strided_slice %select_n3A_403 {offsets = [0, 32768], sizes = [16, 32768], strides = [1, 1]} : vector<16x65536xi16> to vector<16x32768xi16>
    %add3A_406 = arith.addi %slice3A_404, %slice3A_405 : vector<16x32768xi16>
    %slice3A_407 = vector.extract_strided_slice %add3A_406 {offsets = [0, 0], sizes = [16, 16384], strides = [1, 1]} : vector<16x32768xi16> to vector<16x16384xi16>
    %slice3A_408 = vector.extract_strided_slice %add3A_406 {offsets = [0, 16384], sizes = [16, 16384], strides = [1, 1]} : vector<16x32768xi16> to vector<16x16384xi16>
    %add3A_409 = arith.addi %slice3A_407, %slice3A_408 : vector<16x16384xi16>
    %slice3A_410 = vector.extract_strided_slice %add3A_409 {offsets = [0, 0], sizes = [16, 8192], strides = [1, 1]} : vector<16x16384xi16> to vector<16x8192xi16>
    %slice3A_411 = vector.extract_strided_slice %add3A_409 {offsets = [0, 8192], sizes = [16, 8192], strides = [1, 1]} : vector<16x16384xi16> to vector<16x8192xi16>
    %add3A_412 = arith.addi %slice3A_410, %slice3A_411 : vector<16x8192xi16>
    %slice3A_413 = vector.extract_strided_slice %add3A_412 {offsets = [0, 0], sizes = [16, 4096], strides = [1, 1]} : vector<16x8192xi16> to vector<16x4096xi16>
    %slice3A_414 = vector.extract_strided_slice %add3A_412 {offsets = [0, 4096], sizes = [16, 4096], strides = [1, 1]} : vector<16x8192xi16> to vector<16x4096xi16>
    %add3A_415 = arith.addi %slice3A_413, %slice3A_414 : vector<16x4096xi16>
    %slice3A_416 = vector.extract_strided_slice %add3A_415 {offsets = [0, 0], sizes = [16, 2048], strides = [1, 1]} : vector<16x4096xi16> to vector<16x2048xi16>
    %slice3A_417 = vector.extract_strided_slice %add3A_415 {offsets = [0, 2048], sizes = [16, 2048], strides = [1, 1]} : vector<16x4096xi16> to vector<16x2048xi16>
    %add3A_418 = arith.addi %slice3A_416, %slice3A_417 : vector<16x2048xi16>
    %slice3A_419 = vector.extract_strided_slice %add3A_418 {offsets = [0, 0], sizes = [16, 1024], strides = [1, 1]} : vector<16x2048xi16> to vector<16x1024xi16>
    %slice3A_420 = vector.extract_strided_slice %add3A_418 {offsets = [0, 1024], sizes = [16, 1024], strides = [1, 1]} : vector<16x2048xi16> to vector<16x1024xi16>
    %add3A_421 = arith.addi %slice3A_419, %slice3A_420 : vector<16x1024xi16>
    %slice3A_422 = vector.extract_strided_slice %add3A_421 {offsets = [0, 0], sizes = [16, 512], strides = [1, 1]} : vector<16x1024xi16> to vector<16x512xi16>
    %slice3A_423 = vector.extract_strided_slice %add3A_421 {offsets = [0, 512], sizes = [16, 512], strides = [1, 1]} : vector<16x1024xi16> to vector<16x512xi16>
    %add3A_424 = arith.addi %slice3A_422, %slice3A_423 : vector<16x512xi16>
    %slice3A_425 = vector.extract_strided_slice %add3A_424 {offsets = [0, 0], sizes = [16, 256], strides = [1, 1]} : vector<16x512xi16> to vector<16x256xi16>
    %slice3A_426 = vector.extract_strided_slice %add3A_424 {offsets = [0, 256], sizes = [16, 256], strides = [1, 1]} : vector<16x512xi16> to vector<16x256xi16>
    %add3A_427 = arith.addi %slice3A_425, %slice3A_426 : vector<16x256xi16>
    %convert_element_type3A_428 = arith.extsi %add3A_427 : vector<16x256xi16> to vector<16x256xi32>
    %reduce_sum3A_429 = arith.constant dense<0> : vector<16xi32>
    %reduce_sum3A_430 = vector.multi_reduction <add>, %convert_element_type3A_428, %reduce_sum3A_429 [1] : vector<16x256xi32> to vector<16xi32>
    %broadcast_in_dim3A_431 = vector.shape_cast %reduce_sum3A_430 : vector<16xi32> to vector<16x1xi32>
    %ge3A_432 = arith.constant 3276 : i32
    %ge3A_433 = vector.broadcast %ge3A_432 : i32 to vector<16x1xi32>
    %ge3A_434 = arith.cmpi sge, %broadcast_in_dim3A_431, %ge3A_433 : vector<16x1xi32>
    %select_n3A_435 = arith.select %ge3A_434, %or3A_395, %select_n3A_392 : vector<16x1xi1>, vector<16x1xi32>
    %or3A_436 = arith.constant 16 : i32
    %or3A_437 = vector.broadcast %or3A_436 : i32 to vector<16x1xi32>
    %or3A_438 = arith.ori %select_n3A_435, %or3A_437 : vector<16x1xi32>
    %convert_element_type3A_439 = arith.trunci %or3A_438 : vector<16x1xi32> to vector<16x1xi16>
    %ge3A_440 = vector.broadcast %convert_element_type3A_439 : vector<16x1xi16> to vector<16x65536xi16>
    %ge3A_441 = arith.cmpi sge, %convert_element_type3A, %ge3A_440 : vector<16x65536xi16>
    %jit3A_442 = arith.constant 1 : i16
    %jit3A_443 = arith.constant 0 : i16
    %broadcast_in_dim3A_444 = vector.broadcast %jit3A_442 : i16 to vector<16x65536xi16>
    %broadcast_in_dim3A_445 = vector.broadcast %jit3A_443 : i16 to vector<16x65536xi16>
    %select_n3A_446 = arith.select %ge3A_441, %broadcast_in_dim3A_444, %broadcast_in_dim3A_445 : vector<16x65536xi1>, vector<16x65536xi16>
    %slice3A_447 = vector.extract_strided_slice %select_n3A_446 {offsets = [0, 0], sizes = [16, 32768], strides = [1, 1]} : vector<16x65536xi16> to vector<16x32768xi16>
    %slice3A_448 = vector.extract_strided_slice %select_n3A_446 {offsets = [0, 32768], sizes = [16, 32768], strides = [1, 1]} : vector<16x65536xi16> to vector<16x32768xi16>
    %add3A_449 = arith.addi %slice3A_447, %slice3A_448 : vector<16x32768xi16>
    %slice3A_450 = vector.extract_strided_slice %add3A_449 {offsets = [0, 0], sizes = [16, 16384], strides = [1, 1]} : vector<16x32768xi16> to vector<16x16384xi16>
    %slice3A_451 = vector.extract_strided_slice %add3A_449 {offsets = [0, 16384], sizes = [16, 16384], strides = [1, 1]} : vector<16x32768xi16> to vector<16x16384xi16>
    %add3A_452 = arith.addi %slice3A_450, %slice3A_451 : vector<16x16384xi16>
    %slice3A_453 = vector.extract_strided_slice %add3A_452 {offsets = [0, 0], sizes = [16, 8192], strides = [1, 1]} : vector<16x16384xi16> to vector<16x8192xi16>
    %slice3A_454 = vector.extract_strided_slice %add3A_452 {offsets = [0, 8192], sizes = [16, 8192], strides = [1, 1]} : vector<16x16384xi16> to vector<16x8192xi16>
    %add3A_455 = arith.addi %slice3A_453, %slice3A_454 : vector<16x8192xi16>
    %slice3A_456 = vector.extract_strided_slice %add3A_455 {offsets = [0, 0], sizes = [16, 4096], strides = [1, 1]} : vector<16x8192xi16> to vector<16x4096xi16>
    %slice3A_457 = vector.extract_strided_slice %add3A_455 {offsets = [0, 4096], sizes = [16, 4096], strides = [1, 1]} : vector<16x8192xi16> to vector<16x4096xi16>
    %add3A_458 = arith.addi %slice3A_456, %slice3A_457 : vector<16x4096xi16>
    %slice3A_459 = vector.extract_strided_slice %add3A_458 {offsets = [0, 0], sizes = [16, 2048], strides = [1, 1]} : vector<16x4096xi16> to vector<16x2048xi16>
    %slice3A_460 = vector.extract_strided_slice %add3A_458 {offsets = [0, 2048], sizes = [16, 2048], strides = [1, 1]} : vector<16x4096xi16> to vector<16x2048xi16>
    %add3A_461 = arith.addi %slice3A_459, %slice3A_460 : vector<16x2048xi16>
    %slice3A_462 = vector.extract_strided_slice %add3A_461 {offsets = [0, 0], sizes = [16, 1024], strides = [1, 1]} : vector<16x2048xi16> to vector<16x1024xi16>
    %slice3A_463 = vector.extract_strided_slice %add3A_461 {offsets = [0, 1024], sizes = [16, 1024], strides = [1, 1]} : vector<16x2048xi16> to vector<16x1024xi16>
    %add3A_464 = arith.addi %slice3A_462, %slice3A_463 : vector<16x1024xi16>
    %slice3A_465 = vector.extract_strided_slice %add3A_464 {offsets = [0, 0], sizes = [16, 512], strides = [1, 1]} : vector<16x1024xi16> to vector<16x512xi16>
    %slice3A_466 = vector.extract_strided_slice %add3A_464 {offsets = [0, 512], sizes = [16, 512], strides = [1, 1]} : vector<16x1024xi16> to vector<16x512xi16>
    %add3A_467 = arith.addi %slice3A_465, %slice3A_466 : vector<16x512xi16>
    %slice3A_468 = vector.extract_strided_slice %add3A_467 {offsets = [0, 0], sizes = [16, 256], strides = [1, 1]} : vector<16x512xi16> to vector<16x256xi16>
    %slice3A_469 = vector.extract_strided_slice %add3A_467 {offsets = [0, 256], sizes = [16, 256], strides = [1, 1]} : vector<16x512xi16> to vector<16x256xi16>
    %add3A_470 = arith.addi %slice3A_468, %slice3A_469 : vector<16x256xi16>
    %convert_element_type3A_471 = arith.extsi %add3A_470 : vector<16x256xi16> to vector<16x256xi32>
    %reduce_sum3A_472 = arith.constant dense<0> : vector<16xi32>
    %reduce_sum3A_473 = vector.multi_reduction <add>, %convert_element_type3A_471, %reduce_sum3A_472 [1] : vector<16x256xi32> to vector<16xi32>
    %broadcast_in_dim3A_474 = vector.shape_cast %reduce_sum3A_473 : vector<16xi32> to vector<16x1xi32>
    %ge3A_475 = arith.constant 3276 : i32
    %ge3A_476 = vector.broadcast %ge3A_475 : i32 to vector<16x1xi32>
    %ge3A_477 = arith.cmpi sge, %broadcast_in_dim3A_474, %ge3A_476 : vector<16x1xi32>
    %select_n3A_478 = arith.select %ge3A_477, %or3A_438, %select_n3A_435 : vector<16x1xi1>, vector<16x1xi32>
    %or3A_479 = arith.constant 8 : i32
    %or3A_480 = vector.broadcast %or3A_479 : i32 to vector<16x1xi32>
    %or3A_481 = arith.ori %select_n3A_478, %or3A_480 : vector<16x1xi32>
    %convert_element_type3A_482 = arith.trunci %or3A_481 : vector<16x1xi32> to vector<16x1xi16>
    %ge3A_483 = vector.broadcast %convert_element_type3A_482 : vector<16x1xi16> to vector<16x65536xi16>
    %ge3A_484 = arith.cmpi sge, %convert_element_type3A, %ge3A_483 : vector<16x65536xi16>
    %jit3A_485 = arith.constant 1 : i16
    %jit3A_486 = arith.constant 0 : i16
    %broadcast_in_dim3A_487 = vector.broadcast %jit3A_485 : i16 to vector<16x65536xi16>
    %broadcast_in_dim3A_488 = vector.broadcast %jit3A_486 : i16 to vector<16x65536xi16>
    %select_n3A_489 = arith.select %ge3A_484, %broadcast_in_dim3A_487, %broadcast_in_dim3A_488 : vector<16x65536xi1>, vector<16x65536xi16>
    %slice3A_490 = vector.extract_strided_slice %select_n3A_489 {offsets = [0, 0], sizes = [16, 32768], strides = [1, 1]} : vector<16x65536xi16> to vector<16x32768xi16>
    %slice3A_491 = vector.extract_strided_slice %select_n3A_489 {offsets = [0, 32768], sizes = [16, 32768], strides = [1, 1]} : vector<16x65536xi16> to vector<16x32768xi16>
    %add3A_492 = arith.addi %slice3A_490, %slice3A_491 : vector<16x32768xi16>
    %slice3A_493 = vector.extract_strided_slice %add3A_492 {offsets = [0, 0], sizes = [16, 16384], strides = [1, 1]} : vector<16x32768xi16> to vector<16x16384xi16>
    %slice3A_494 = vector.extract_strided_slice %add3A_492 {offsets = [0, 16384], sizes = [16, 16384], strides = [1, 1]} : vector<16x32768xi16> to vector<16x16384xi16>
    %add3A_495 = arith.addi %slice3A_493, %slice3A_494 : vector<16x16384xi16>
    %slice3A_496 = vector.extract_strided_slice %add3A_495 {offsets = [0, 0], sizes = [16, 8192], strides = [1, 1]} : vector<16x16384xi16> to vector<16x8192xi16>
    %slice3A_497 = vector.extract_strided_slice %add3A_495 {offsets = [0, 8192], sizes = [16, 8192], strides = [1, 1]} : vector<16x16384xi16> to vector<16x8192xi16>
    %add3A_498 = arith.addi %slice3A_496, %slice3A_497 : vector<16x8192xi16>
    %slice3A_499 = vector.extract_strided_slice %add3A_498 {offsets = [0, 0], sizes = [16, 4096], strides = [1, 1]} : vector<16x8192xi16> to vector<16x4096xi16>
    %slice3A_500 = vector.extract_strided_slice %add3A_498 {offsets = [0, 4096], sizes = [16, 4096], strides = [1, 1]} : vector<16x8192xi16> to vector<16x4096xi16>
    %add3A_501 = arith.addi %slice3A_499, %slice3A_500 : vector<16x4096xi16>
    %slice3A_502 = vector.extract_strided_slice %add3A_501 {offsets = [0, 0], sizes = [16, 2048], strides = [1, 1]} : vector<16x4096xi16> to vector<16x2048xi16>
    %slice3A_503 = vector.extract_strided_slice %add3A_501 {offsets = [0, 2048], sizes = [16, 2048], strides = [1, 1]} : vector<16x4096xi16> to vector<16x2048xi16>
    %add3A_504 = arith.addi %slice3A_502, %slice3A_503 : vector<16x2048xi16>
    %slice3A_505 = vector.extract_strided_slice %add3A_504 {offsets = [0, 0], sizes = [16, 1024], strides = [1, 1]} : vector<16x2048xi16> to vector<16x1024xi16>
    %slice3A_506 = vector.extract_strided_slice %add3A_504 {offsets = [0, 1024], sizes = [16, 1024], strides = [1, 1]} : vector<16x2048xi16> to vector<16x1024xi16>
    %add3A_507 = arith.addi %slice3A_505, %slice3A_506 : vector<16x1024xi16>
    %slice3A_508 = vector.extract_strided_slice %add3A_507 {offsets = [0, 0], sizes = [16, 512], strides = [1, 1]} : vector<16x1024xi16> to vector<16x512xi16>
    %slice3A_509 = vector.extract_strided_slice %add3A_507 {offsets = [0, 512], sizes = [16, 512], strides = [1, 1]} : vector<16x1024xi16> to vector<16x512xi16>
    %add3A_510 = arith.addi %slice3A_508, %slice3A_509 : vector<16x512xi16>
    %slice3A_511 = vector.extract_strided_slice %add3A_510 {offsets = [0, 0], sizes = [16, 256], strides = [1, 1]} : vector<16x512xi16> to vector<16x256xi16>
    %slice3A_512 = vector.extract_strided_slice %add3A_510 {offsets = [0, 256], sizes = [16, 256], strides = [1, 1]} : vector<16x512xi16> to vector<16x256xi16>
    %add3A_513 = arith.addi %slice3A_511, %slice3A_512 : vector<16x256xi16>
    %convert_element_type3A_514 = arith.extsi %add3A_513 : vector<16x256xi16> to vector<16x256xi32>
    %reduce_sum3A_515 = arith.constant dense<0> : vector<16xi32>
    %reduce_sum3A_516 = vector.multi_reduction <add>, %convert_element_type3A_514, %reduce_sum3A_515 [1] : vector<16x256xi32> to vector<16xi32>
    %broadcast_in_dim3A_517 = vector.shape_cast %reduce_sum3A_516 : vector<16xi32> to vector<16x1xi32>
    %ge3A_518 = arith.constant 3276 : i32
    %ge3A_519 = vector.broadcast %ge3A_518 : i32 to vector<16x1xi32>
    %ge3A_520 = arith.cmpi sge, %broadcast_in_dim3A_517, %ge3A_519 : vector<16x1xi32>
    %select_n3A_521 = arith.select %ge3A_520, %or3A_481, %select_n3A_478 : vector<16x1xi1>, vector<16x1xi32>
    %or3A_522 = arith.constant 4 : i32
    %or3A_523 = vector.broadcast %or3A_522 : i32 to vector<16x1xi32>
    %or3A_524 = arith.ori %select_n3A_521, %or3A_523 : vector<16x1xi32>
    %convert_element_type3A_525 = arith.trunci %or3A_524 : vector<16x1xi32> to vector<16x1xi16>
    %ge3A_526 = vector.broadcast %convert_element_type3A_525 : vector<16x1xi16> to vector<16x65536xi16>
    %ge3A_527 = arith.cmpi sge, %convert_element_type3A, %ge3A_526 : vector<16x65536xi16>
    %jit3A_528 = arith.constant 1 : i16
    %jit3A_529 = arith.constant 0 : i16
    %broadcast_in_dim3A_530 = vector.broadcast %jit3A_528 : i16 to vector<16x65536xi16>
    %broadcast_in_dim3A_531 = vector.broadcast %jit3A_529 : i16 to vector<16x65536xi16>
    %select_n3A_532 = arith.select %ge3A_527, %broadcast_in_dim3A_530, %broadcast_in_dim3A_531 : vector<16x65536xi1>, vector<16x65536xi16>
    %slice3A_533 = vector.extract_strided_slice %select_n3A_532 {offsets = [0, 0], sizes = [16, 32768], strides = [1, 1]} : vector<16x65536xi16> to vector<16x32768xi16>
    %slice3A_534 = vector.extract_strided_slice %select_n3A_532 {offsets = [0, 32768], sizes = [16, 32768], strides = [1, 1]} : vector<16x65536xi16> to vector<16x32768xi16>
    %add3A_535 = arith.addi %slice3A_533, %slice3A_534 : vector<16x32768xi16>
    %slice3A_536 = vector.extract_strided_slice %add3A_535 {offsets = [0, 0], sizes = [16, 16384], strides = [1, 1]} : vector<16x32768xi16> to vector<16x16384xi16>
    %slice3A_537 = vector.extract_strided_slice %add3A_535 {offsets = [0, 16384], sizes = [16, 16384], strides = [1, 1]} : vector<16x32768xi16> to vector<16x16384xi16>
    %add3A_538 = arith.addi %slice3A_536, %slice3A_537 : vector<16x16384xi16>
    %slice3A_539 = vector.extract_strided_slice %add3A_538 {offsets = [0, 0], sizes = [16, 8192], strides = [1, 1]} : vector<16x16384xi16> to vector<16x8192xi16>
    %slice3A_540 = vector.extract_strided_slice %add3A_538 {offsets = [0, 8192], sizes = [16, 8192], strides = [1, 1]} : vector<16x16384xi16> to vector<16x8192xi16>
    %add3A_541 = arith.addi %slice3A_539, %slice3A_540 : vector<16x8192xi16>
    %slice3A_542 = vector.extract_strided_slice %add3A_541 {offsets = [0, 0], sizes = [16, 4096], strides = [1, 1]} : vector<16x8192xi16> to vector<16x4096xi16>
    %slice3A_543 = vector.extract_strided_slice %add3A_541 {offsets = [0, 4096], sizes = [16, 4096], strides = [1, 1]} : vector<16x8192xi16> to vector<16x4096xi16>
    %add3A_544 = arith.addi %slice3A_542, %slice3A_543 : vector<16x4096xi16>
    %slice3A_545 = vector.extract_strided_slice %add3A_544 {offsets = [0, 0], sizes = [16, 2048], strides = [1, 1]} : vector<16x4096xi16> to vector<16x2048xi16>
    %slice3A_546 = vector.extract_strided_slice %add3A_544 {offsets = [0, 2048], sizes = [16, 2048], strides = [1, 1]} : vector<16x4096xi16> to vector<16x2048xi16>
    %add3A_547 = arith.addi %slice3A_545, %slice3A_546 : vector<16x2048xi16>
    %slice3A_548 = vector.extract_strided_slice %add3A_547 {offsets = [0, 0], sizes = [16, 1024], strides = [1, 1]} : vector<16x2048xi16> to vector<16x1024xi16>
    %slice3A_549 = vector.extract_strided_slice %add3A_547 {offsets = [0, 1024], sizes = [16, 1024], strides = [1, 1]} : vector<16x2048xi16> to vector<16x1024xi16>
    %add3A_550 = arith.addi %slice3A_548, %slice3A_549 : vector<16x1024xi16>
    %slice3A_551 = vector.extract_strided_slice %add3A_550 {offsets = [0, 0], sizes = [16, 512], strides = [1, 1]} : vector<16x1024xi16> to vector<16x512xi16>
    %slice3A_552 = vector.extract_strided_slice %add3A_550 {offsets = [0, 512], sizes = [16, 512], strides = [1, 1]} : vector<16x1024xi16> to vector<16x512xi16>
    %add3A_553 = arith.addi %slice3A_551, %slice3A_552 : vector<16x512xi16>
    %slice3A_554 = vector.extract_strided_slice %add3A_553 {offsets = [0, 0], sizes = [16, 256], strides = [1, 1]} : vector<16x512xi16> to vector<16x256xi16>
    %slice3A_555 = vector.extract_strided_slice %add3A_553 {offsets = [0, 256], sizes = [16, 256], strides = [1, 1]} : vector<16x512xi16> to vector<16x256xi16>
    %add3A_556 = arith.addi %slice3A_554, %slice3A_555 : vector<16x256xi16>
    %convert_element_type3A_557 = arith.extsi %add3A_556 : vector<16x256xi16> to vector<16x256xi32>
    %reduce_sum3A_558 = arith.constant dense<0> : vector<16xi32>
    %reduce_sum3A_559 = vector.multi_reduction <add>, %convert_element_type3A_557, %reduce_sum3A_558 [1] : vector<16x256xi32> to vector<16xi32>
    %broadcast_in_dim3A_560 = vector.shape_cast %reduce_sum3A_559 : vector<16xi32> to vector<16x1xi32>
    %ge3A_561 = arith.constant 3276 : i32
    %ge3A_562 = vector.broadcast %ge3A_561 : i32 to vector<16x1xi32>
    %ge3A_563 = arith.cmpi sge, %broadcast_in_dim3A_560, %ge3A_562 : vector<16x1xi32>
    %select_n3A_564 = arith.select %ge3A_563, %or3A_524, %select_n3A_521 : vector<16x1xi1>, vector<16x1xi32>
    %or3A_565 = arith.constant 2 : i32
    %or3A_566 = vector.broadcast %or3A_565 : i32 to vector<16x1xi32>
    %or3A_567 = arith.ori %select_n3A_564, %or3A_566 : vector<16x1xi32>
    %convert_element_type3A_568 = arith.trunci %or3A_567 : vector<16x1xi32> to vector<16x1xi16>
    %ge3A_569 = vector.broadcast %convert_element_type3A_568 : vector<16x1xi16> to vector<16x65536xi16>
    %ge3A_570 = arith.cmpi sge, %convert_element_type3A, %ge3A_569 : vector<16x65536xi16>
    %jit3A_571 = arith.constant 1 : i16
    %jit3A_572 = arith.constant 0 : i16
    %broadcast_in_dim3A_573 = vector.broadcast %jit3A_571 : i16 to vector<16x65536xi16>
    %broadcast_in_dim3A_574 = vector.broadcast %jit3A_572 : i16 to vector<16x65536xi16>
    %select_n3A_575 = arith.select %ge3A_570, %broadcast_in_dim3A_573, %broadcast_in_dim3A_574 : vector<16x65536xi1>, vector<16x65536xi16>
    %slice3A_576 = vector.extract_strided_slice %select_n3A_575 {offsets = [0, 0], sizes = [16, 32768], strides = [1, 1]} : vector<16x65536xi16> to vector<16x32768xi16>
    %slice3A_577 = vector.extract_strided_slice %select_n3A_575 {offsets = [0, 32768], sizes = [16, 32768], strides = [1, 1]} : vector<16x65536xi16> to vector<16x32768xi16>
    %add3A_578 = arith.addi %slice3A_576, %slice3A_577 : vector<16x32768xi16>
    %slice3A_579 = vector.extract_strided_slice %add3A_578 {offsets = [0, 0], sizes = [16, 16384], strides = [1, 1]} : vector<16x32768xi16> to vector<16x16384xi16>
    %slice3A_580 = vector.extract_strided_slice %add3A_578 {offsets = [0, 16384], sizes = [16, 16384], strides = [1, 1]} : vector<16x32768xi16> to vector<16x16384xi16>
    %add3A_581 = arith.addi %slice3A_579, %slice3A_580 : vector<16x16384xi16>
    %slice3A_582 = vector.extract_strided_slice %add3A_581 {offsets = [0, 0], sizes = [16, 8192], strides = [1, 1]} : vector<16x16384xi16> to vector<16x8192xi16>
    %slice3A_583 = vector.extract_strided_slice %add3A_581 {offsets = [0, 8192], sizes = [16, 8192], strides = [1, 1]} : vector<16x16384xi16> to vector<16x8192xi16>
    %add3A_584 = arith.addi %slice3A_582, %slice3A_583 : vector<16x8192xi16>
    %slice3A_585 = vector.extract_strided_slice %add3A_584 {offsets = [0, 0], sizes = [16, 4096], strides = [1, 1]} : vector<16x8192xi16> to vector<16x4096xi16>
    %slice3A_586 = vector.extract_strided_slice %add3A_584 {offsets = [0, 4096], sizes = [16, 4096], strides = [1, 1]} : vector<16x8192xi16> to vector<16x4096xi16>
    %add3A_587 = arith.addi %slice3A_585, %slice3A_586 : vector<16x4096xi16>
    %slice3A_588 = vector.extract_strided_slice %add3A_587 {offsets = [0, 0], sizes = [16, 2048], strides = [1, 1]} : vector<16x4096xi16> to vector<16x2048xi16>
    %slice3A_589 = vector.extract_strided_slice %add3A_587 {offsets = [0, 2048], sizes = [16, 2048], strides = [1, 1]} : vector<16x4096xi16> to vector<16x2048xi16>
    %add3A_590 = arith.addi %slice3A_588, %slice3A_589 : vector<16x2048xi16>
    %slice3A_591 = vector.extract_strided_slice %add3A_590 {offsets = [0, 0], sizes = [16, 1024], strides = [1, 1]} : vector<16x2048xi16> to vector<16x1024xi16>
    %slice3A_592 = vector.extract_strided_slice %add3A_590 {offsets = [0, 1024], sizes = [16, 1024], strides = [1, 1]} : vector<16x2048xi16> to vector<16x1024xi16>
    %add3A_593 = arith.addi %slice3A_591, %slice3A_592 : vector<16x1024xi16>
    %slice3A_594 = vector.extract_strided_slice %add3A_593 {offsets = [0, 0], sizes = [16, 512], strides = [1, 1]} : vector<16x1024xi16> to vector<16x512xi16>
    %slice3A_595 = vector.extract_strided_slice %add3A_593 {offsets = [0, 512], sizes = [16, 512], strides = [1, 1]} : vector<16x1024xi16> to vector<16x512xi16>
    %add3A_596 = arith.addi %slice3A_594, %slice3A_595 : vector<16x512xi16>
    %slice3A_597 = vector.extract_strided_slice %add3A_596 {offsets = [0, 0], sizes = [16, 256], strides = [1, 1]} : vector<16x512xi16> to vector<16x256xi16>
    %slice3A_598 = vector.extract_strided_slice %add3A_596 {offsets = [0, 256], sizes = [16, 256], strides = [1, 1]} : vector<16x512xi16> to vector<16x256xi16>
    %add3A_599 = arith.addi %slice3A_597, %slice3A_598 : vector<16x256xi16>
    %convert_element_type3A_600 = arith.extsi %add3A_599 : vector<16x256xi16> to vector<16x256xi32>
    %reduce_sum3A_601 = arith.constant dense<0> : vector<16xi32>
    %reduce_sum3A_602 = vector.multi_reduction <add>, %convert_element_type3A_600, %reduce_sum3A_601 [1] : vector<16x256xi32> to vector<16xi32>
    %broadcast_in_dim3A_603 = vector.shape_cast %reduce_sum3A_602 : vector<16xi32> to vector<16x1xi32>
    %ge3A_604 = arith.constant 3276 : i32
    %ge3A_605 = vector.broadcast %ge3A_604 : i32 to vector<16x1xi32>
    %ge3A_606 = arith.cmpi sge, %broadcast_in_dim3A_603, %ge3A_605 : vector<16x1xi32>
    %select_n3A_607 = arith.select %ge3A_606, %or3A_567, %select_n3A_564 : vector<16x1xi1>, vector<16x1xi32>
    %or3A_608 = arith.constant 1 : i32
    %or3A_609 = vector.broadcast %or3A_608 : i32 to vector<16x1xi32>
    %or3A_610 = arith.ori %select_n3A_607, %or3A_609 : vector<16x1xi32>
    %convert_element_type3A_611 = arith.trunci %or3A_610 : vector<16x1xi32> to vector<16x1xi16>
    %ge3A_612 = vector.broadcast %convert_element_type3A_611 : vector<16x1xi16> to vector<16x65536xi16>
    %ge3A_613 = arith.cmpi sge, %convert_element_type3A, %ge3A_612 : vector<16x65536xi16>
    %jit3A_614 = arith.constant 1 : i16
    %jit3A_615 = arith.constant 0 : i16
    %broadcast_in_dim3A_616 = vector.broadcast %jit3A_614 : i16 to vector<16x65536xi16>
    %broadcast_in_dim3A_617 = vector.broadcast %jit3A_615 : i16 to vector<16x65536xi16>
    %select_n3A_618 = arith.select %ge3A_613, %broadcast_in_dim3A_616, %broadcast_in_dim3A_617 : vector<16x65536xi1>, vector<16x65536xi16>
    %slice3A_619 = vector.extract_strided_slice %select_n3A_618 {offsets = [0, 0], sizes = [16, 32768], strides = [1, 1]} : vector<16x65536xi16> to vector<16x32768xi16>
    %slice3A_620 = vector.extract_strided_slice %select_n3A_618 {offsets = [0, 32768], sizes = [16, 32768], strides = [1, 1]} : vector<16x65536xi16> to vector<16x32768xi16>
    %add3A_621 = arith.addi %slice3A_619, %slice3A_620 : vector<16x32768xi16>
    %slice3A_622 = vector.extract_strided_slice %add3A_621 {offsets = [0, 0], sizes = [16, 16384], strides = [1, 1]} : vector<16x32768xi16> to vector<16x16384xi16>
    %slice3A_623 = vector.extract_strided_slice %add3A_621 {offsets = [0, 16384], sizes = [16, 16384], strides = [1, 1]} : vector<16x32768xi16> to vector<16x16384xi16>
    %add3A_624 = arith.addi %slice3A_622, %slice3A_623 : vector<16x16384xi16>
    %slice3A_625 = vector.extract_strided_slice %add3A_624 {offsets = [0, 0], sizes = [16, 8192], strides = [1, 1]} : vector<16x16384xi16> to vector<16x8192xi16>
    %slice3A_626 = vector.extract_strided_slice %add3A_624 {offsets = [0, 8192], sizes = [16, 8192], strides = [1, 1]} : vector<16x16384xi16> to vector<16x8192xi16>
    %add3A_627 = arith.addi %slice3A_625, %slice3A_626 : vector<16x8192xi16>
    %slice3A_628 = vector.extract_strided_slice %add3A_627 {offsets = [0, 0], sizes = [16, 4096], strides = [1, 1]} : vector<16x8192xi16> to vector<16x4096xi16>
    %slice3A_629 = vector.extract_strided_slice %add3A_627 {offsets = [0, 4096], sizes = [16, 4096], strides = [1, 1]} : vector<16x8192xi16> to vector<16x4096xi16>
    %add3A_630 = arith.addi %slice3A_628, %slice3A_629 : vector<16x4096xi16>
    %slice3A_631 = vector.extract_strided_slice %add3A_630 {offsets = [0, 0], sizes = [16, 2048], strides = [1, 1]} : vector<16x4096xi16> to vector<16x2048xi16>
    %slice3A_632 = vector.extract_strided_slice %add3A_630 {offsets = [0, 2048], sizes = [16, 2048], strides = [1, 1]} : vector<16x4096xi16> to vector<16x2048xi16>
    %add3A_633 = arith.addi %slice3A_631, %slice3A_632 : vector<16x2048xi16>
    %slice3A_634 = vector.extract_strided_slice %add3A_633 {offsets = [0, 0], sizes = [16, 1024], strides = [1, 1]} : vector<16x2048xi16> to vector<16x1024xi16>
    %slice3A_635 = vector.extract_strided_slice %add3A_633 {offsets = [0, 1024], sizes = [16, 1024], strides = [1, 1]} : vector<16x2048xi16> to vector<16x1024xi16>
    %add3A_636 = arith.addi %slice3A_634, %slice3A_635 : vector<16x1024xi16>
    %slice3A_637 = vector.extract_strided_slice %add3A_636 {offsets = [0, 0], sizes = [16, 512], strides = [1, 1]} : vector<16x1024xi16> to vector<16x512xi16>
    %slice3A_638 = vector.extract_strided_slice %add3A_636 {offsets = [0, 512], sizes = [16, 512], strides = [1, 1]} : vector<16x1024xi16> to vector<16x512xi16>
    %add3A_639 = arith.addi %slice3A_637, %slice3A_638 : vector<16x512xi16>
    %slice3A_640 = vector.extract_strided_slice %add3A_639 {offsets = [0, 0], sizes = [16, 256], strides = [1, 1]} : vector<16x512xi16> to vector<16x256xi16>
    %slice3A_641 = vector.extract_strided_slice %add3A_639 {offsets = [0, 256], sizes = [16, 256], strides = [1, 1]} : vector<16x512xi16> to vector<16x256xi16>
    %add3A_642 = arith.addi %slice3A_640, %slice3A_641 : vector<16x256xi16>
    %convert_element_type3A_643 = arith.extsi %add3A_642 : vector<16x256xi16> to vector<16x256xi32>
    %reduce_sum3A_644 = arith.constant dense<0> : vector<16xi32>
    %reduce_sum3A_645 = vector.multi_reduction <add>, %convert_element_type3A_643, %reduce_sum3A_644 [1] : vector<16x256xi32> to vector<16xi32>
    %broadcast_in_dim3A_646 = vector.shape_cast %reduce_sum3A_645 : vector<16xi32> to vector<16x1xi32>
    %ge3A_647 = arith.constant 3276 : i32
    %ge3A_648 = vector.broadcast %ge3A_647 : i32 to vector<16x1xi32>
    %ge3A_649 = arith.cmpi sge, %broadcast_in_dim3A_646, %ge3A_648 : vector<16x1xi32>
    %select_n3A_650 = arith.select %ge3A_649, %or3A_610, %select_n3A_607 : vector<16x1xi1>, vector<16x1xi32>
    %convert_element_type3A_651 = arith.trunci %select_n3A_650 : vector<16x1xi32> to vector<16x1xi16>
    %gt3A = vector.broadcast %convert_element_type3A_651 : vector<16x1xi16> to vector<16x65536xi16>
    %gt3A_652 = arith.cmpi sgt, %convert_element_type3A, %gt3A : vector<16x65536xi16>
    %jit3A_653 = arith.constant 1 : i16
    %jit3A_654 = arith.constant 0 : i16
    %broadcast_in_dim3A_655 = vector.broadcast %jit3A_653 : i16 to vector<16x65536xi16>
    %broadcast_in_dim3A_656 = vector.broadcast %jit3A_654 : i16 to vector<16x65536xi16>
    %select_n3A_657 = arith.select %gt3A_652, %broadcast_in_dim3A_655, %broadcast_in_dim3A_656 : vector<16x65536xi1>, vector<16x65536xi16>
    %slice3A_658 = vector.extract_strided_slice %select_n3A_657 {offsets = [0, 0], sizes = [16, 32768], strides = [1, 1]} : vector<16x65536xi16> to vector<16x32768xi16>
    %slice3A_659 = vector.extract_strided_slice %select_n3A_657 {offsets = [0, 32768], sizes = [16, 32768], strides = [1, 1]} : vector<16x65536xi16> to vector<16x32768xi16>
    %add3A_660 = arith.addi %slice3A_658, %slice3A_659 : vector<16x32768xi16>
    %slice3A_661 = vector.extract_strided_slice %add3A_660 {offsets = [0, 0], sizes = [16, 16384], strides = [1, 1]} : vector<16x32768xi16> to vector<16x16384xi16>
    %slice3A_662 = vector.extract_strided_slice %add3A_660 {offsets = [0, 16384], sizes = [16, 16384], strides = [1, 1]} : vector<16x32768xi16> to vector<16x16384xi16>
    %add3A_663 = arith.addi %slice3A_661, %slice3A_662 : vector<16x16384xi16>
    %slice3A_664 = vector.extract_strided_slice %add3A_663 {offsets = [0, 0], sizes = [16, 8192], strides = [1, 1]} : vector<16x16384xi16> to vector<16x8192xi16>
    %slice3A_665 = vector.extract_strided_slice %add3A_663 {offsets = [0, 8192], sizes = [16, 8192], strides = [1, 1]} : vector<16x16384xi16> to vector<16x8192xi16>
    %add3A_666 = arith.addi %slice3A_664, %slice3A_665 : vector<16x8192xi16>
    %slice3A_667 = vector.extract_strided_slice %add3A_666 {offsets = [0, 0], sizes = [16, 4096], strides = [1, 1]} : vector<16x8192xi16> to vector<16x4096xi16>
    %slice3A_668 = vector.extract_strided_slice %add3A_666 {offsets = [0, 4096], sizes = [16, 4096], strides = [1, 1]} : vector<16x8192xi16> to vector<16x4096xi16>
    %add3A_669 = arith.addi %slice3A_667, %slice3A_668 : vector<16x4096xi16>
    %slice3A_670 = vector.extract_strided_slice %add3A_669 {offsets = [0, 0], sizes = [16, 2048], strides = [1, 1]} : vector<16x4096xi16> to vector<16x2048xi16>
    %slice3A_671 = vector.extract_strided_slice %add3A_669 {offsets = [0, 2048], sizes = [16, 2048], strides = [1, 1]} : vector<16x4096xi16> to vector<16x2048xi16>
    %add3A_672 = arith.addi %slice3A_670, %slice3A_671 : vector<16x2048xi16>
    %slice3A_673 = vector.extract_strided_slice %add3A_672 {offsets = [0, 0], sizes = [16, 1024], strides = [1, 1]} : vector<16x2048xi16> to vector<16x1024xi16>
    %slice3A_674 = vector.extract_strided_slice %add3A_672 {offsets = [0, 1024], sizes = [16, 1024], strides = [1, 1]} : vector<16x2048xi16> to vector<16x1024xi16>
    %add3A_675 = arith.addi %slice3A_673, %slice3A_674 : vector<16x1024xi16>
    %slice3A_676 = vector.extract_strided_slice %add3A_675 {offsets = [0, 0], sizes = [16, 512], strides = [1, 1]} : vector<16x1024xi16> to vector<16x512xi16>
    %slice3A_677 = vector.extract_strided_slice %add3A_675 {offsets = [0, 512], sizes = [16, 512], strides = [1, 1]} : vector<16x1024xi16> to vector<16x512xi16>
    %add3A_678 = arith.addi %slice3A_676, %slice3A_677 : vector<16x512xi16>
    %slice3A_679 = vector.extract_strided_slice %add3A_678 {offsets = [0, 0], sizes = [16, 256], strides = [1, 1]} : vector<16x512xi16> to vector<16x256xi16>
    %slice3A_680 = vector.extract_strided_slice %add3A_678 {offsets = [0, 256], sizes = [16, 256], strides = [1, 1]} : vector<16x512xi16> to vector<16x256xi16>
    %add3A_681 = arith.addi %slice3A_679, %slice3A_680 : vector<16x256xi16>
    %convert_element_type3A_682 = arith.extsi %add3A_681 : vector<16x256xi16> to vector<16x256xi32>
    %reduce_sum3A_683 = arith.constant dense<0> : vector<16xi32>
    %reduce_sum3A_684 = vector.multi_reduction <add>, %convert_element_type3A_682, %reduce_sum3A_683 [1] : vector<16x256xi32> to vector<16xi32>
    %broadcast_in_dim3A_685 = vector.shape_cast %reduce_sum3A_684 : vector<16xi32> to vector<16x1xi32>
    %convert_element_type3A_686 = arith.trunci %select_n3A_650 : vector<16x1xi32> to vector<16x1xi16>
    %eq3A = vector.broadcast %convert_element_type3A_686 : vector<16x1xi16> to vector<16x65536xi16>
    %eq3A_687 = arith.cmpi eq, %convert_element_type3A, %eq3A : vector<16x65536xi16>
    %jit3A_688 = arith.constant -32768 : i16
    %broadcast_in_dim3A_689 = vector.broadcast %jit3A_688 : i16 to vector<16x65536xi16>
    %select_n3A_690 = arith.select %eq3A_687, %convert_element_type3A_11, %broadcast_in_dim3A_689 : vector<16x65536xi1>, vector<16x65536xi16>
    %broadcast_in_dim3A_691 = arith.constant 0 : i32
    %broadcast_in_dim3A_692 = vector.broadcast %broadcast_in_dim3A_691 : i32 to vector<16x1xi32>
    %or3A_693 = arith.constant 32768 : i32
    %or3A_694 = vector.broadcast %or3A_693 : i32 to vector<16x1xi32>
    %or3A_695 = arith.ori %broadcast_in_dim3A_692, %or3A_694 : vector<16x1xi32>
    %xor3A_696 = arith.constant 32768 : i32
    %xor3A_697 = vector.broadcast %xor3A_696 : i32 to vector<16x1xi32>
    %xor3A_698 = arith.xori %or3A_695, %xor3A_697 : vector<16x1xi32>
    %convert_element_type3A_699 = arith.trunci %xor3A_698 : vector<16x1xi32> to vector<16x1xi16>
    %ge3A_700 = vector.broadcast %convert_element_type3A_699 : vector<16x1xi16> to vector<16x65536xi16>
    %ge3A_701 = arith.cmpi sge, %select_n3A_690, %ge3A_700 : vector<16x65536xi16>
    %jit3A_702 = arith.constant 1 : i16
    %jit3A_703 = arith.constant 0 : i16
    %broadcast_in_dim3A_704 = vector.broadcast %jit3A_702 : i16 to vector<16x65536xi16>
    %broadcast_in_dim3A_705 = vector.broadcast %jit3A_703 : i16 to vector<16x65536xi16>
    %select_n3A_706 = arith.select %ge3A_701, %broadcast_in_dim3A_704, %broadcast_in_dim3A_705 : vector<16x65536xi1>, vector<16x65536xi16>
    %slice3A_707 = vector.extract_strided_slice %select_n3A_706 {offsets = [0, 0], sizes = [16, 32768], strides = [1, 1]} : vector<16x65536xi16> to vector<16x32768xi16>
    %slice3A_708 = vector.extract_strided_slice %select_n3A_706 {offsets = [0, 32768], sizes = [16, 32768], strides = [1, 1]} : vector<16x65536xi16> to vector<16x32768xi16>
    %add3A_709 = arith.addi %slice3A_707, %slice3A_708 : vector<16x32768xi16>
    %slice3A_710 = vector.extract_strided_slice %add3A_709 {offsets = [0, 0], sizes = [16, 16384], strides = [1, 1]} : vector<16x32768xi16> to vector<16x16384xi16>
    %slice3A_711 = vector.extract_strided_slice %add3A_709 {offsets = [0, 16384], sizes = [16, 16384], strides = [1, 1]} : vector<16x32768xi16> to vector<16x16384xi16>
    %add3A_712 = arith.addi %slice3A_710, %slice3A_711 : vector<16x16384xi16>
    %slice3A_713 = vector.extract_strided_slice %add3A_712 {offsets = [0, 0], sizes = [16, 8192], strides = [1, 1]} : vector<16x16384xi16> to vector<16x8192xi16>
    %slice3A_714 = vector.extract_strided_slice %add3A_712 {offsets = [0, 8192], sizes = [16, 8192], strides = [1, 1]} : vector<16x16384xi16> to vector<16x8192xi16>
    %add3A_715 = arith.addi %slice3A_713, %slice3A_714 : vector<16x8192xi16>
    %slice3A_716 = vector.extract_strided_slice %add3A_715 {offsets = [0, 0], sizes = [16, 4096], strides = [1, 1]} : vector<16x8192xi16> to vector<16x4096xi16>
    %slice3A_717 = vector.extract_strided_slice %add3A_715 {offsets = [0, 4096], sizes = [16, 4096], strides = [1, 1]} : vector<16x8192xi16> to vector<16x4096xi16>
    %add3A_718 = arith.addi %slice3A_716, %slice3A_717 : vector<16x4096xi16>
    %slice3A_719 = vector.extract_strided_slice %add3A_718 {offsets = [0, 0], sizes = [16, 2048], strides = [1, 1]} : vector<16x4096xi16> to vector<16x2048xi16>
    %slice3A_720 = vector.extract_strided_slice %add3A_718 {offsets = [0, 2048], sizes = [16, 2048], strides = [1, 1]} : vector<16x4096xi16> to vector<16x2048xi16>
    %add3A_721 = arith.addi %slice3A_719, %slice3A_720 : vector<16x2048xi16>
    %slice3A_722 = vector.extract_strided_slice %add3A_721 {offsets = [0, 0], sizes = [16, 1024], strides = [1, 1]} : vector<16x2048xi16> to vector<16x1024xi16>
    %slice3A_723 = vector.extract_strided_slice %add3A_721 {offsets = [0, 1024], sizes = [16, 1024], strides = [1, 1]} : vector<16x2048xi16> to vector<16x1024xi16>
    %add3A_724 = arith.addi %slice3A_722, %slice3A_723 : vector<16x1024xi16>
    %slice3A_725 = vector.extract_strided_slice %add3A_724 {offsets = [0, 0], sizes = [16, 512], strides = [1, 1]} : vector<16x1024xi16> to vector<16x512xi16>
    %slice3A_726 = vector.extract_strided_slice %add3A_724 {offsets = [0, 512], sizes = [16, 512], strides = [1, 1]} : vector<16x1024xi16> to vector<16x512xi16>
    %add3A_727 = arith.addi %slice3A_725, %slice3A_726 : vector<16x512xi16>
    %slice3A_728 = vector.extract_strided_slice %add3A_727 {offsets = [0, 0], sizes = [16, 256], strides = [1, 1]} : vector<16x512xi16> to vector<16x256xi16>
    %slice3A_729 = vector.extract_strided_slice %add3A_727 {offsets = [0, 256], sizes = [16, 256], strides = [1, 1]} : vector<16x512xi16> to vector<16x256xi16>
    %add3A_730 = arith.addi %slice3A_728, %slice3A_729 : vector<16x256xi16>
    %convert_element_type3A_731 = arith.extsi %add3A_730 : vector<16x256xi16> to vector<16x256xi32>
    %reduce_sum3A_732 = arith.constant dense<0> : vector<16xi32>
    %reduce_sum3A_733 = vector.multi_reduction <add>, %convert_element_type3A_731, %reduce_sum3A_732 [1] : vector<16x256xi32> to vector<16xi32>
    %broadcast_in_dim3A_734 = vector.shape_cast %reduce_sum3A_733 : vector<16xi32> to vector<16x1xi32>
    %add3A_735 = arith.addi %broadcast_in_dim3A_685, %broadcast_in_dim3A_734 : vector<16x1xi32>
    %ge3A_736 = arith.constant 3276 : i32
    %ge3A_737 = vector.broadcast %ge3A_736 : i32 to vector<16x1xi32>
    %ge3A_738 = arith.cmpi sge, %add3A_735, %ge3A_737 : vector<16x1xi32>
    %select_n3A_739 = arith.select %ge3A_738, %or3A_695, %broadcast_in_dim3A_692 : vector<16x1xi1>, vector<16x1xi32>
    %or3A_740 = arith.constant 16384 : i32
    %or3A_741 = vector.broadcast %or3A_740 : i32 to vector<16x1xi32>
    %or3A_742 = arith.ori %select_n3A_739, %or3A_741 : vector<16x1xi32>
    %xor3A_743 = arith.constant 32768 : i32
    %xor3A_744 = vector.broadcast %xor3A_743 : i32 to vector<16x1xi32>
    %xor3A_745 = arith.xori %or3A_742, %xor3A_744 : vector<16x1xi32>
    %convert_element_type3A_746 = arith.trunci %xor3A_745 : vector<16x1xi32> to vector<16x1xi16>
    %ge3A_747 = vector.broadcast %convert_element_type3A_746 : vector<16x1xi16> to vector<16x65536xi16>
    %ge3A_748 = arith.cmpi sge, %select_n3A_690, %ge3A_747 : vector<16x65536xi16>
    %jit3A_749 = arith.constant 1 : i16
    %jit3A_750 = arith.constant 0 : i16
    %broadcast_in_dim3A_751 = vector.broadcast %jit3A_749 : i16 to vector<16x65536xi16>
    %broadcast_in_dim3A_752 = vector.broadcast %jit3A_750 : i16 to vector<16x65536xi16>
    %select_n3A_753 = arith.select %ge3A_748, %broadcast_in_dim3A_751, %broadcast_in_dim3A_752 : vector<16x65536xi1>, vector<16x65536xi16>
    %slice3A_754 = vector.extract_strided_slice %select_n3A_753 {offsets = [0, 0], sizes = [16, 32768], strides = [1, 1]} : vector<16x65536xi16> to vector<16x32768xi16>
    %slice3A_755 = vector.extract_strided_slice %select_n3A_753 {offsets = [0, 32768], sizes = [16, 32768], strides = [1, 1]} : vector<16x65536xi16> to vector<16x32768xi16>
    %add3A_756 = arith.addi %slice3A_754, %slice3A_755 : vector<16x32768xi16>
    %slice3A_757 = vector.extract_strided_slice %add3A_756 {offsets = [0, 0], sizes = [16, 16384], strides = [1, 1]} : vector<16x32768xi16> to vector<16x16384xi16>
    %slice3A_758 = vector.extract_strided_slice %add3A_756 {offsets = [0, 16384], sizes = [16, 16384], strides = [1, 1]} : vector<16x32768xi16> to vector<16x16384xi16>
    %add3A_759 = arith.addi %slice3A_757, %slice3A_758 : vector<16x16384xi16>
    %slice3A_760 = vector.extract_strided_slice %add3A_759 {offsets = [0, 0], sizes = [16, 8192], strides = [1, 1]} : vector<16x16384xi16> to vector<16x8192xi16>
    %slice3A_761 = vector.extract_strided_slice %add3A_759 {offsets = [0, 8192], sizes = [16, 8192], strides = [1, 1]} : vector<16x16384xi16> to vector<16x8192xi16>
    %add3A_762 = arith.addi %slice3A_760, %slice3A_761 : vector<16x8192xi16>
    %slice3A_763 = vector.extract_strided_slice %add3A_762 {offsets = [0, 0], sizes = [16, 4096], strides = [1, 1]} : vector<16x8192xi16> to vector<16x4096xi16>
    %slice3A_764 = vector.extract_strided_slice %add3A_762 {offsets = [0, 4096], sizes = [16, 4096], strides = [1, 1]} : vector<16x8192xi16> to vector<16x4096xi16>
    %add3A_765 = arith.addi %slice3A_763, %slice3A_764 : vector<16x4096xi16>
    %slice3A_766 = vector.extract_strided_slice %add3A_765 {offsets = [0, 0], sizes = [16, 2048], strides = [1, 1]} : vector<16x4096xi16> to vector<16x2048xi16>
    %slice3A_767 = vector.extract_strided_slice %add3A_765 {offsets = [0, 2048], sizes = [16, 2048], strides = [1, 1]} : vector<16x4096xi16> to vector<16x2048xi16>
    %add3A_768 = arith.addi %slice3A_766, %slice3A_767 : vector<16x2048xi16>
    %slice3A_769 = vector.extract_strided_slice %add3A_768 {offsets = [0, 0], sizes = [16, 1024], strides = [1, 1]} : vector<16x2048xi16> to vector<16x1024xi16>
    %slice3A_770 = vector.extract_strided_slice %add3A_768 {offsets = [0, 1024], sizes = [16, 1024], strides = [1, 1]} : vector<16x2048xi16> to vector<16x1024xi16>
    %add3A_771 = arith.addi %slice3A_769, %slice3A_770 : vector<16x1024xi16>
    %slice3A_772 = vector.extract_strided_slice %add3A_771 {offsets = [0, 0], sizes = [16, 512], strides = [1, 1]} : vector<16x1024xi16> to vector<16x512xi16>
    %slice3A_773 = vector.extract_strided_slice %add3A_771 {offsets = [0, 512], sizes = [16, 512], strides = [1, 1]} : vector<16x1024xi16> to vector<16x512xi16>
    %add3A_774 = arith.addi %slice3A_772, %slice3A_773 : vector<16x512xi16>
    %slice3A_775 = vector.extract_strided_slice %add3A_774 {offsets = [0, 0], sizes = [16, 256], strides = [1, 1]} : vector<16x512xi16> to vector<16x256xi16>
    %slice3A_776 = vector.extract_strided_slice %add3A_774 {offsets = [0, 256], sizes = [16, 256], strides = [1, 1]} : vector<16x512xi16> to vector<16x256xi16>
    %add3A_777 = arith.addi %slice3A_775, %slice3A_776 : vector<16x256xi16>
    %convert_element_type3A_778 = arith.extsi %add3A_777 : vector<16x256xi16> to vector<16x256xi32>
    %reduce_sum3A_779 = arith.constant dense<0> : vector<16xi32>
    %reduce_sum3A_780 = vector.multi_reduction <add>, %convert_element_type3A_778, %reduce_sum3A_779 [1] : vector<16x256xi32> to vector<16xi32>
    %broadcast_in_dim3A_781 = vector.shape_cast %reduce_sum3A_780 : vector<16xi32> to vector<16x1xi32>
    %add3A_782 = arith.addi %broadcast_in_dim3A_685, %broadcast_in_dim3A_781 : vector<16x1xi32>
    %ge3A_783 = arith.constant 3276 : i32
    %ge3A_784 = vector.broadcast %ge3A_783 : i32 to vector<16x1xi32>
    %ge3A_785 = arith.cmpi sge, %add3A_782, %ge3A_784 : vector<16x1xi32>
    %select_n3A_786 = arith.select %ge3A_785, %or3A_742, %select_n3A_739 : vector<16x1xi1>, vector<16x1xi32>
    %or3A_787 = arith.constant 8192 : i32
    %or3A_788 = vector.broadcast %or3A_787 : i32 to vector<16x1xi32>
    %or3A_789 = arith.ori %select_n3A_786, %or3A_788 : vector<16x1xi32>
    %xor3A_790 = arith.constant 32768 : i32
    %xor3A_791 = vector.broadcast %xor3A_790 : i32 to vector<16x1xi32>
    %xor3A_792 = arith.xori %or3A_789, %xor3A_791 : vector<16x1xi32>
    %convert_element_type3A_793 = arith.trunci %xor3A_792 : vector<16x1xi32> to vector<16x1xi16>
    %ge3A_794 = vector.broadcast %convert_element_type3A_793 : vector<16x1xi16> to vector<16x65536xi16>
    %ge3A_795 = arith.cmpi sge, %select_n3A_690, %ge3A_794 : vector<16x65536xi16>
    %jit3A_796 = arith.constant 1 : i16
    %jit3A_797 = arith.constant 0 : i16
    %broadcast_in_dim3A_798 = vector.broadcast %jit3A_796 : i16 to vector<16x65536xi16>
    %broadcast_in_dim3A_799 = vector.broadcast %jit3A_797 : i16 to vector<16x65536xi16>
    %select_n3A_800 = arith.select %ge3A_795, %broadcast_in_dim3A_798, %broadcast_in_dim3A_799 : vector<16x65536xi1>, vector<16x65536xi16>
    %slice3A_801 = vector.extract_strided_slice %select_n3A_800 {offsets = [0, 0], sizes = [16, 32768], strides = [1, 1]} : vector<16x65536xi16> to vector<16x32768xi16>
    %slice3A_802 = vector.extract_strided_slice %select_n3A_800 {offsets = [0, 32768], sizes = [16, 32768], strides = [1, 1]} : vector<16x65536xi16> to vector<16x32768xi16>
    %add3A_803 = arith.addi %slice3A_801, %slice3A_802 : vector<16x32768xi16>
    %slice3A_804 = vector.extract_strided_slice %add3A_803 {offsets = [0, 0], sizes = [16, 16384], strides = [1, 1]} : vector<16x32768xi16> to vector<16x16384xi16>
    %slice3A_805 = vector.extract_strided_slice %add3A_803 {offsets = [0, 16384], sizes = [16, 16384], strides = [1, 1]} : vector<16x32768xi16> to vector<16x16384xi16>
    %add3A_806 = arith.addi %slice3A_804, %slice3A_805 : vector<16x16384xi16>
    %slice3A_807 = vector.extract_strided_slice %add3A_806 {offsets = [0, 0], sizes = [16, 8192], strides = [1, 1]} : vector<16x16384xi16> to vector<16x8192xi16>
    %slice3A_808 = vector.extract_strided_slice %add3A_806 {offsets = [0, 8192], sizes = [16, 8192], strides = [1, 1]} : vector<16x16384xi16> to vector<16x8192xi16>
    %add3A_809 = arith.addi %slice3A_807, %slice3A_808 : vector<16x8192xi16>
    %slice3A_810 = vector.extract_strided_slice %add3A_809 {offsets = [0, 0], sizes = [16, 4096], strides = [1, 1]} : vector<16x8192xi16> to vector<16x4096xi16>
    %slice3A_811 = vector.extract_strided_slice %add3A_809 {offsets = [0, 4096], sizes = [16, 4096], strides = [1, 1]} : vector<16x8192xi16> to vector<16x4096xi16>
    %add3A_812 = arith.addi %slice3A_810, %slice3A_811 : vector<16x4096xi16>
    %slice3A_813 = vector.extract_strided_slice %add3A_812 {offsets = [0, 0], sizes = [16, 2048], strides = [1, 1]} : vector<16x4096xi16> to vector<16x2048xi16>
    %slice3A_814 = vector.extract_strided_slice %add3A_812 {offsets = [0, 2048], sizes = [16, 2048], strides = [1, 1]} : vector<16x4096xi16> to vector<16x2048xi16>
    %add3A_815 = arith.addi %slice3A_813, %slice3A_814 : vector<16x2048xi16>
    %slice3A_816 = vector.extract_strided_slice %add3A_815 {offsets = [0, 0], sizes = [16, 1024], strides = [1, 1]} : vector<16x2048xi16> to vector<16x1024xi16>
    %slice3A_817 = vector.extract_strided_slice %add3A_815 {offsets = [0, 1024], sizes = [16, 1024], strides = [1, 1]} : vector<16x2048xi16> to vector<16x1024xi16>
    %add3A_818 = arith.addi %slice3A_816, %slice3A_817 : vector<16x1024xi16>
    %slice3A_819 = vector.extract_strided_slice %add3A_818 {offsets = [0, 0], sizes = [16, 512], strides = [1, 1]} : vector<16x1024xi16> to vector<16x512xi16>
    %slice3A_820 = vector.extract_strided_slice %add3A_818 {offsets = [0, 512], sizes = [16, 512], strides = [1, 1]} : vector<16x1024xi16> to vector<16x512xi16>
    %add3A_821 = arith.addi %slice3A_819, %slice3A_820 : vector<16x512xi16>
    %slice3A_822 = vector.extract_strided_slice %add3A_821 {offsets = [0, 0], sizes = [16, 256], strides = [1, 1]} : vector<16x512xi16> to vector<16x256xi16>
    %slice3A_823 = vector.extract_strided_slice %add3A_821 {offsets = [0, 256], sizes = [16, 256], strides = [1, 1]} : vector<16x512xi16> to vector<16x256xi16>
    %add3A_824 = arith.addi %slice3A_822, %slice3A_823 : vector<16x256xi16>
    %convert_element_type3A_825 = arith.extsi %add3A_824 : vector<16x256xi16> to vector<16x256xi32>
    %reduce_sum3A_826 = arith.constant dense<0> : vector<16xi32>
    %reduce_sum3A_827 = vector.multi_reduction <add>, %convert_element_type3A_825, %reduce_sum3A_826 [1] : vector<16x256xi32> to vector<16xi32>
    %broadcast_in_dim3A_828 = vector.shape_cast %reduce_sum3A_827 : vector<16xi32> to vector<16x1xi32>
    %add3A_829 = arith.addi %broadcast_in_dim3A_685, %broadcast_in_dim3A_828 : vector<16x1xi32>
    %ge3A_830 = arith.constant 3276 : i32
    %ge3A_831 = vector.broadcast %ge3A_830 : i32 to vector<16x1xi32>
    %ge3A_832 = arith.cmpi sge, %add3A_829, %ge3A_831 : vector<16x1xi32>
    %select_n3A_833 = arith.select %ge3A_832, %or3A_789, %select_n3A_786 : vector<16x1xi1>, vector<16x1xi32>
    %or3A_834 = arith.constant 4096 : i32
    %or3A_835 = vector.broadcast %or3A_834 : i32 to vector<16x1xi32>
    %or3A_836 = arith.ori %select_n3A_833, %or3A_835 : vector<16x1xi32>
    %xor3A_837 = arith.constant 32768 : i32
    %xor3A_838 = vector.broadcast %xor3A_837 : i32 to vector<16x1xi32>
    %xor3A_839 = arith.xori %or3A_836, %xor3A_838 : vector<16x1xi32>
    %convert_element_type3A_840 = arith.trunci %xor3A_839 : vector<16x1xi32> to vector<16x1xi16>
    %ge3A_841 = vector.broadcast %convert_element_type3A_840 : vector<16x1xi16> to vector<16x65536xi16>
    %ge3A_842 = arith.cmpi sge, %select_n3A_690, %ge3A_841 : vector<16x65536xi16>
    %jit3A_843 = arith.constant 1 : i16
    %jit3A_844 = arith.constant 0 : i16
    %broadcast_in_dim3A_845 = vector.broadcast %jit3A_843 : i16 to vector<16x65536xi16>
    %broadcast_in_dim3A_846 = vector.broadcast %jit3A_844 : i16 to vector<16x65536xi16>
    %select_n3A_847 = arith.select %ge3A_842, %broadcast_in_dim3A_845, %broadcast_in_dim3A_846 : vector<16x65536xi1>, vector<16x65536xi16>
    %slice3A_848 = vector.extract_strided_slice %select_n3A_847 {offsets = [0, 0], sizes = [16, 32768], strides = [1, 1]} : vector<16x65536xi16> to vector<16x32768xi16>
    %slice3A_849 = vector.extract_strided_slice %select_n3A_847 {offsets = [0, 32768], sizes = [16, 32768], strides = [1, 1]} : vector<16x65536xi16> to vector<16x32768xi16>
    %add3A_850 = arith.addi %slice3A_848, %slice3A_849 : vector<16x32768xi16>
    %slice3A_851 = vector.extract_strided_slice %add3A_850 {offsets = [0, 0], sizes = [16, 16384], strides = [1, 1]} : vector<16x32768xi16> to vector<16x16384xi16>
    %slice3A_852 = vector.extract_strided_slice %add3A_850 {offsets = [0, 16384], sizes = [16, 16384], strides = [1, 1]} : vector<16x32768xi16> to vector<16x16384xi16>
    %add3A_853 = arith.addi %slice3A_851, %slice3A_852 : vector<16x16384xi16>
    %slice3A_854 = vector.extract_strided_slice %add3A_853 {offsets = [0, 0], sizes = [16, 8192], strides = [1, 1]} : vector<16x16384xi16> to vector<16x8192xi16>
    %slice3A_855 = vector.extract_strided_slice %add3A_853 {offsets = [0, 8192], sizes = [16, 8192], strides = [1, 1]} : vector<16x16384xi16> to vector<16x8192xi16>
    %add3A_856 = arith.addi %slice3A_854, %slice3A_855 : vector<16x8192xi16>
    %slice3A_857 = vector.extract_strided_slice %add3A_856 {offsets = [0, 0], sizes = [16, 4096], strides = [1, 1]} : vector<16x8192xi16> to vector<16x4096xi16>
    %slice3A_858 = vector.extract_strided_slice %add3A_856 {offsets = [0, 4096], sizes = [16, 4096], strides = [1, 1]} : vector<16x8192xi16> to vector<16x4096xi16>
    %add3A_859 = arith.addi %slice3A_857, %slice3A_858 : vector<16x4096xi16>
    %slice3A_860 = vector.extract_strided_slice %add3A_859 {offsets = [0, 0], sizes = [16, 2048], strides = [1, 1]} : vector<16x4096xi16> to vector<16x2048xi16>
    %slice3A_861 = vector.extract_strided_slice %add3A_859 {offsets = [0, 2048], sizes = [16, 2048], strides = [1, 1]} : vector<16x4096xi16> to vector<16x2048xi16>
    %add3A_862 = arith.addi %slice3A_860, %slice3A_861 : vector<16x2048xi16>
    %slice3A_863 = vector.extract_strided_slice %add3A_862 {offsets = [0, 0], sizes = [16, 1024], strides = [1, 1]} : vector<16x2048xi16> to vector<16x1024xi16>
    %slice3A_864 = vector.extract_strided_slice %add3A_862 {offsets = [0, 1024], sizes = [16, 1024], strides = [1, 1]} : vector<16x2048xi16> to vector<16x1024xi16>
    %add3A_865 = arith.addi %slice3A_863, %slice3A_864 : vector<16x1024xi16>
    %slice3A_866 = vector.extract_strided_slice %add3A_865 {offsets = [0, 0], sizes = [16, 512], strides = [1, 1]} : vector<16x1024xi16> to vector<16x512xi16>
    %slice3A_867 = vector.extract_strided_slice %add3A_865 {offsets = [0, 512], sizes = [16, 512], strides = [1, 1]} : vector<16x1024xi16> to vector<16x512xi16>
    %add3A_868 = arith.addi %slice3A_866, %slice3A_867 : vector<16x512xi16>
    %slice3A_869 = vector.extract_strided_slice %add3A_868 {offsets = [0, 0], sizes = [16, 256], strides = [1, 1]} : vector<16x512xi16> to vector<16x256xi16>
    %slice3A_870 = vector.extract_strided_slice %add3A_868 {offsets = [0, 256], sizes = [16, 256], strides = [1, 1]} : vector<16x512xi16> to vector<16x256xi16>
    %add3A_871 = arith.addi %slice3A_869, %slice3A_870 : vector<16x256xi16>
    %convert_element_type3A_872 = arith.extsi %add3A_871 : vector<16x256xi16> to vector<16x256xi32>
    %reduce_sum3A_873 = arith.constant dense<0> : vector<16xi32>
    %reduce_sum3A_874 = vector.multi_reduction <add>, %convert_element_type3A_872, %reduce_sum3A_873 [1] : vector<16x256xi32> to vector<16xi32>
    %broadcast_in_dim3A_875 = vector.shape_cast %reduce_sum3A_874 : vector<16xi32> to vector<16x1xi32>
    %add3A_876 = arith.addi %broadcast_in_dim3A_685, %broadcast_in_dim3A_875 : vector<16x1xi32>
    %ge3A_877 = arith.constant 3276 : i32
    %ge3A_878 = vector.broadcast %ge3A_877 : i32 to vector<16x1xi32>
    %ge3A_879 = arith.cmpi sge, %add3A_876, %ge3A_878 : vector<16x1xi32>
    %select_n3A_880 = arith.select %ge3A_879, %or3A_836, %select_n3A_833 : vector<16x1xi1>, vector<16x1xi32>
    %or3A_881 = arith.constant 2048 : i32
    %or3A_882 = vector.broadcast %or3A_881 : i32 to vector<16x1xi32>
    %or3A_883 = arith.ori %select_n3A_880, %or3A_882 : vector<16x1xi32>
    %xor3A_884 = arith.constant 32768 : i32
    %xor3A_885 = vector.broadcast %xor3A_884 : i32 to vector<16x1xi32>
    %xor3A_886 = arith.xori %or3A_883, %xor3A_885 : vector<16x1xi32>
    %convert_element_type3A_887 = arith.trunci %xor3A_886 : vector<16x1xi32> to vector<16x1xi16>
    %ge3A_888 = vector.broadcast %convert_element_type3A_887 : vector<16x1xi16> to vector<16x65536xi16>
    %ge3A_889 = arith.cmpi sge, %select_n3A_690, %ge3A_888 : vector<16x65536xi16>
    %jit3A_890 = arith.constant 1 : i16
    %jit3A_891 = arith.constant 0 : i16
    %broadcast_in_dim3A_892 = vector.broadcast %jit3A_890 : i16 to vector<16x65536xi16>
    %broadcast_in_dim3A_893 = vector.broadcast %jit3A_891 : i16 to vector<16x65536xi16>
    %select_n3A_894 = arith.select %ge3A_889, %broadcast_in_dim3A_892, %broadcast_in_dim3A_893 : vector<16x65536xi1>, vector<16x65536xi16>
    %slice3A_895 = vector.extract_strided_slice %select_n3A_894 {offsets = [0, 0], sizes = [16, 32768], strides = [1, 1]} : vector<16x65536xi16> to vector<16x32768xi16>
    %slice3A_896 = vector.extract_strided_slice %select_n3A_894 {offsets = [0, 32768], sizes = [16, 32768], strides = [1, 1]} : vector<16x65536xi16> to vector<16x32768xi16>
    %add3A_897 = arith.addi %slice3A_895, %slice3A_896 : vector<16x32768xi16>
    %slice3A_898 = vector.extract_strided_slice %add3A_897 {offsets = [0, 0], sizes = [16, 16384], strides = [1, 1]} : vector<16x32768xi16> to vector<16x16384xi16>
    %slice3A_899 = vector.extract_strided_slice %add3A_897 {offsets = [0, 16384], sizes = [16, 16384], strides = [1, 1]} : vector<16x32768xi16> to vector<16x16384xi16>
    %add3A_900 = arith.addi %slice3A_898, %slice3A_899 : vector<16x16384xi16>
    %slice3A_901 = vector.extract_strided_slice %add3A_900 {offsets = [0, 0], sizes = [16, 8192], strides = [1, 1]} : vector<16x16384xi16> to vector<16x8192xi16>
    %slice3A_902 = vector.extract_strided_slice %add3A_900 {offsets = [0, 8192], sizes = [16, 8192], strides = [1, 1]} : vector<16x16384xi16> to vector<16x8192xi16>
    %add3A_903 = arith.addi %slice3A_901, %slice3A_902 : vector<16x8192xi16>
    %slice3A_904 = vector.extract_strided_slice %add3A_903 {offsets = [0, 0], sizes = [16, 4096], strides = [1, 1]} : vector<16x8192xi16> to vector<16x4096xi16>
    %slice3A_905 = vector.extract_strided_slice %add3A_903 {offsets = [0, 4096], sizes = [16, 4096], strides = [1, 1]} : vector<16x8192xi16> to vector<16x4096xi16>
    %add3A_906 = arith.addi %slice3A_904, %slice3A_905 : vector<16x4096xi16>
    %slice3A_907 = vector.extract_strided_slice %add3A_906 {offsets = [0, 0], sizes = [16, 2048], strides = [1, 1]} : vector<16x4096xi16> to vector<16x2048xi16>
    %slice3A_908 = vector.extract_strided_slice %add3A_906 {offsets = [0, 2048], sizes = [16, 2048], strides = [1, 1]} : vector<16x4096xi16> to vector<16x2048xi16>
    %add3A_909 = arith.addi %slice3A_907, %slice3A_908 : vector<16x2048xi16>
    %slice3A_910 = vector.extract_strided_slice %add3A_909 {offsets = [0, 0], sizes = [16, 1024], strides = [1, 1]} : vector<16x2048xi16> to vector<16x1024xi16>
    %slice3A_911 = vector.extract_strided_slice %add3A_909 {offsets = [0, 1024], sizes = [16, 1024], strides = [1, 1]} : vector<16x2048xi16> to vector<16x1024xi16>
    %add3A_912 = arith.addi %slice3A_910, %slice3A_911 : vector<16x1024xi16>
    %slice3A_913 = vector.extract_strided_slice %add3A_912 {offsets = [0, 0], sizes = [16, 512], strides = [1, 1]} : vector<16x1024xi16> to vector<16x512xi16>
    %slice3A_914 = vector.extract_strided_slice %add3A_912 {offsets = [0, 512], sizes = [16, 512], strides = [1, 1]} : vector<16x1024xi16> to vector<16x512xi16>
    %add3A_915 = arith.addi %slice3A_913, %slice3A_914 : vector<16x512xi16>
    %slice3A_916 = vector.extract_strided_slice %add3A_915 {offsets = [0, 0], sizes = [16, 256], strides = [1, 1]} : vector<16x512xi16> to vector<16x256xi16>
    %slice3A_917 = vector.extract_strided_slice %add3A_915 {offsets = [0, 256], sizes = [16, 256], strides = [1, 1]} : vector<16x512xi16> to vector<16x256xi16>
    %add3A_918 = arith.addi %slice3A_916, %slice3A_917 : vector<16x256xi16>
    %convert_element_type3A_919 = arith.extsi %add3A_918 : vector<16x256xi16> to vector<16x256xi32>
    %reduce_sum3A_920 = arith.constant dense<0> : vector<16xi32>
    %reduce_sum3A_921 = vector.multi_reduction <add>, %convert_element_type3A_919, %reduce_sum3A_920 [1] : vector<16x256xi32> to vector<16xi32>
    %broadcast_in_dim3A_922 = vector.shape_cast %reduce_sum3A_921 : vector<16xi32> to vector<16x1xi32>
    %add3A_923 = arith.addi %broadcast_in_dim3A_685, %broadcast_in_dim3A_922 : vector<16x1xi32>
    %ge3A_924 = arith.constant 3276 : i32
    %ge3A_925 = vector.broadcast %ge3A_924 : i32 to vector<16x1xi32>
    %ge3A_926 = arith.cmpi sge, %add3A_923, %ge3A_925 : vector<16x1xi32>
    %select_n3A_927 = arith.select %ge3A_926, %or3A_883, %select_n3A_880 : vector<16x1xi1>, vector<16x1xi32>
    %or3A_928 = arith.constant 1024 : i32
    %or3A_929 = vector.broadcast %or3A_928 : i32 to vector<16x1xi32>
    %or3A_930 = arith.ori %select_n3A_927, %or3A_929 : vector<16x1xi32>
    %xor3A_931 = arith.constant 32768 : i32
    %xor3A_932 = vector.broadcast %xor3A_931 : i32 to vector<16x1xi32>
    %xor3A_933 = arith.xori %or3A_930, %xor3A_932 : vector<16x1xi32>
    %convert_element_type3A_934 = arith.trunci %xor3A_933 : vector<16x1xi32> to vector<16x1xi16>
    %ge3A_935 = vector.broadcast %convert_element_type3A_934 : vector<16x1xi16> to vector<16x65536xi16>
    %ge3A_936 = arith.cmpi sge, %select_n3A_690, %ge3A_935 : vector<16x65536xi16>
    %jit3A_937 = arith.constant 1 : i16
    %jit3A_938 = arith.constant 0 : i16
    %broadcast_in_dim3A_939 = vector.broadcast %jit3A_937 : i16 to vector<16x65536xi16>
    %broadcast_in_dim3A_940 = vector.broadcast %jit3A_938 : i16 to vector<16x65536xi16>
    %select_n3A_941 = arith.select %ge3A_936, %broadcast_in_dim3A_939, %broadcast_in_dim3A_940 : vector<16x65536xi1>, vector<16x65536xi16>
    %slice3A_942 = vector.extract_strided_slice %select_n3A_941 {offsets = [0, 0], sizes = [16, 32768], strides = [1, 1]} : vector<16x65536xi16> to vector<16x32768xi16>
    %slice3A_943 = vector.extract_strided_slice %select_n3A_941 {offsets = [0, 32768], sizes = [16, 32768], strides = [1, 1]} : vector<16x65536xi16> to vector<16x32768xi16>
    %add3A_944 = arith.addi %slice3A_942, %slice3A_943 : vector<16x32768xi16>
    %slice3A_945 = vector.extract_strided_slice %add3A_944 {offsets = [0, 0], sizes = [16, 16384], strides = [1, 1]} : vector<16x32768xi16> to vector<16x16384xi16>
    %slice3A_946 = vector.extract_strided_slice %add3A_944 {offsets = [0, 16384], sizes = [16, 16384], strides = [1, 1]} : vector<16x32768xi16> to vector<16x16384xi16>
    %add3A_947 = arith.addi %slice3A_945, %slice3A_946 : vector<16x16384xi16>
    %slice3A_948 = vector.extract_strided_slice %add3A_947 {offsets = [0, 0], sizes = [16, 8192], strides = [1, 1]} : vector<16x16384xi16> to vector<16x8192xi16>
    %slice3A_949 = vector.extract_strided_slice %add3A_947 {offsets = [0, 8192], sizes = [16, 8192], strides = [1, 1]} : vector<16x16384xi16> to vector<16x8192xi16>
    %add3A_950 = arith.addi %slice3A_948, %slice3A_949 : vector<16x8192xi16>
    %slice3A_951 = vector.extract_strided_slice %add3A_950 {offsets = [0, 0], sizes = [16, 4096], strides = [1, 1]} : vector<16x8192xi16> to vector<16x4096xi16>
    %slice3A_952 = vector.extract_strided_slice %add3A_950 {offsets = [0, 4096], sizes = [16, 4096], strides = [1, 1]} : vector<16x8192xi16> to vector<16x4096xi16>
    %add3A_953 = arith.addi %slice3A_951, %slice3A_952 : vector<16x4096xi16>
    %slice3A_954 = vector.extract_strided_slice %add3A_953 {offsets = [0, 0], sizes = [16, 2048], strides = [1, 1]} : vector<16x4096xi16> to vector<16x2048xi16>
    %slice3A_955 = vector.extract_strided_slice %add3A_953 {offsets = [0, 2048], sizes = [16, 2048], strides = [1, 1]} : vector<16x4096xi16> to vector<16x2048xi16>
    %add3A_956 = arith.addi %slice3A_954, %slice3A_955 : vector<16x2048xi16>
    %slice3A_957 = vector.extract_strided_slice %add3A_956 {offsets = [0, 0], sizes = [16, 1024], strides = [1, 1]} : vector<16x2048xi16> to vector<16x1024xi16>
    %slice3A_958 = vector.extract_strided_slice %add3A_956 {offsets = [0, 1024], sizes = [16, 1024], strides = [1, 1]} : vector<16x2048xi16> to vector<16x1024xi16>
    %add3A_959 = arith.addi %slice3A_957, %slice3A_958 : vector<16x1024xi16>
    %slice3A_960 = vector.extract_strided_slice %add3A_959 {offsets = [0, 0], sizes = [16, 512], strides = [1, 1]} : vector<16x1024xi16> to vector<16x512xi16>
    %slice3A_961 = vector.extract_strided_slice %add3A_959 {offsets = [0, 512], sizes = [16, 512], strides = [1, 1]} : vector<16x1024xi16> to vector<16x512xi16>
    %add3A_962 = arith.addi %slice3A_960, %slice3A_961 : vector<16x512xi16>
    %slice3A_963 = vector.extract_strided_slice %add3A_962 {offsets = [0, 0], sizes = [16, 256], strides = [1, 1]} : vector<16x512xi16> to vector<16x256xi16>
    %slice3A_964 = vector.extract_strided_slice %add3A_962 {offsets = [0, 256], sizes = [16, 256], strides = [1, 1]} : vector<16x512xi16> to vector<16x256xi16>
    %add3A_965 = arith.addi %slice3A_963, %slice3A_964 : vector<16x256xi16>
    %convert_element_type3A_966 = arith.extsi %add3A_965 : vector<16x256xi16> to vector<16x256xi32>
    %reduce_sum3A_967 = arith.constant dense<0> : vector<16xi32>
    %reduce_sum3A_968 = vector.multi_reduction <add>, %convert_element_type3A_966, %reduce_sum3A_967 [1] : vector<16x256xi32> to vector<16xi32>
    %broadcast_in_dim3A_969 = vector.shape_cast %reduce_sum3A_968 : vector<16xi32> to vector<16x1xi32>
    %add3A_970 = arith.addi %broadcast_in_dim3A_685, %broadcast_in_dim3A_969 : vector<16x1xi32>
    %ge3A_971 = arith.constant 3276 : i32
    %ge3A_972 = vector.broadcast %ge3A_971 : i32 to vector<16x1xi32>
    %ge3A_973 = arith.cmpi sge, %add3A_970, %ge3A_972 : vector<16x1xi32>
    %select_n3A_974 = arith.select %ge3A_973, %or3A_930, %select_n3A_927 : vector<16x1xi1>, vector<16x1xi32>
    %or3A_975 = arith.constant 512 : i32
    %or3A_976 = vector.broadcast %or3A_975 : i32 to vector<16x1xi32>
    %or3A_977 = arith.ori %select_n3A_974, %or3A_976 : vector<16x1xi32>
    %xor3A_978 = arith.constant 32768 : i32
    %xor3A_979 = vector.broadcast %xor3A_978 : i32 to vector<16x1xi32>
    %xor3A_980 = arith.xori %or3A_977, %xor3A_979 : vector<16x1xi32>
    %convert_element_type3A_981 = arith.trunci %xor3A_980 : vector<16x1xi32> to vector<16x1xi16>
    %ge3A_982 = vector.broadcast %convert_element_type3A_981 : vector<16x1xi16> to vector<16x65536xi16>
    %ge3A_983 = arith.cmpi sge, %select_n3A_690, %ge3A_982 : vector<16x65536xi16>
    %jit3A_984 = arith.constant 1 : i16
    %jit3A_985 = arith.constant 0 : i16
    %broadcast_in_dim3A_986 = vector.broadcast %jit3A_984 : i16 to vector<16x65536xi16>
    %broadcast_in_dim3A_987 = vector.broadcast %jit3A_985 : i16 to vector<16x65536xi16>
    %select_n3A_988 = arith.select %ge3A_983, %broadcast_in_dim3A_986, %broadcast_in_dim3A_987 : vector<16x65536xi1>, vector<16x65536xi16>
    %slice3A_989 = vector.extract_strided_slice %select_n3A_988 {offsets = [0, 0], sizes = [16, 32768], strides = [1, 1]} : vector<16x65536xi16> to vector<16x32768xi16>
    %slice3A_990 = vector.extract_strided_slice %select_n3A_988 {offsets = [0, 32768], sizes = [16, 32768], strides = [1, 1]} : vector<16x65536xi16> to vector<16x32768xi16>
    %add3A_991 = arith.addi %slice3A_989, %slice3A_990 : vector<16x32768xi16>
    %slice3A_992 = vector.extract_strided_slice %add3A_991 {offsets = [0, 0], sizes = [16, 16384], strides = [1, 1]} : vector<16x32768xi16> to vector<16x16384xi16>
    %slice3A_993 = vector.extract_strided_slice %add3A_991 {offsets = [0, 16384], sizes = [16, 16384], strides = [1, 1]} : vector<16x32768xi16> to vector<16x16384xi16>
    %add3A_994 = arith.addi %slice3A_992, %slice3A_993 : vector<16x16384xi16>
    %slice3A_995 = vector.extract_strided_slice %add3A_994 {offsets = [0, 0], sizes = [16, 8192], strides = [1, 1]} : vector<16x16384xi16> to vector<16x8192xi16>
    %slice3A_996 = vector.extract_strided_slice %add3A_994 {offsets = [0, 8192], sizes = [16, 8192], strides = [1, 1]} : vector<16x16384xi16> to vector<16x8192xi16>
    %add3A_997 = arith.addi %slice3A_995, %slice3A_996 : vector<16x8192xi16>
    %slice3A_998 = vector.extract_strided_slice %add3A_997 {offsets = [0, 0], sizes = [16, 4096], strides = [1, 1]} : vector<16x8192xi16> to vector<16x4096xi16>
    %slice3A_999 = vector.extract_strided_slice %add3A_997 {offsets = [0, 4096], sizes = [16, 4096], strides = [1, 1]} : vector<16x8192xi16> to vector<16x4096xi16>
    %add3A_1000 = arith.addi %slice3A_998, %slice3A_999 : vector<16x4096xi16>
    %slice3A_1001 = vector.extract_strided_slice %add3A_1000 {offsets = [0, 0], sizes = [16, 2048], strides = [1, 1]} : vector<16x4096xi16> to vector<16x2048xi16>
    %slice3A_1002 = vector.extract_strided_slice %add3A_1000 {offsets = [0, 2048], sizes = [16, 2048], strides = [1, 1]} : vector<16x4096xi16> to vector<16x2048xi16>
    %add3A_1003 = arith.addi %slice3A_1001, %slice3A_1002 : vector<16x2048xi16>
    %slice3A_1004 = vector.extract_strided_slice %add3A_1003 {offsets = [0, 0], sizes = [16, 1024], strides = [1, 1]} : vector<16x2048xi16> to vector<16x1024xi16>
    %slice3A_1005 = vector.extract_strided_slice %add3A_1003 {offsets = [0, 1024], sizes = [16, 1024], strides = [1, 1]} : vector<16x2048xi16> to vector<16x1024xi16>
    %add3A_1006 = arith.addi %slice3A_1004, %slice3A_1005 : vector<16x1024xi16>
    %slice3A_1007 = vector.extract_strided_slice %add3A_1006 {offsets = [0, 0], sizes = [16, 512], strides = [1, 1]} : vector<16x1024xi16> to vector<16x512xi16>
    %slice3A_1008 = vector.extract_strided_slice %add3A_1006 {offsets = [0, 512], sizes = [16, 512], strides = [1, 1]} : vector<16x1024xi16> to vector<16x512xi16>
    %add3A_1009 = arith.addi %slice3A_1007, %slice3A_1008 : vector<16x512xi16>
    %slice3A_1010 = vector.extract_strided_slice %add3A_1009 {offsets = [0, 0], sizes = [16, 256], strides = [1, 1]} : vector<16x512xi16> to vector<16x256xi16>
    %slice3A_1011 = vector.extract_strided_slice %add3A_1009 {offsets = [0, 256], sizes = [16, 256], strides = [1, 1]} : vector<16x512xi16> to vector<16x256xi16>
    %add3A_1012 = arith.addi %slice3A_1010, %slice3A_1011 : vector<16x256xi16>
    %convert_element_type3A_1013 = arith.extsi %add3A_1012 : vector<16x256xi16> to vector<16x256xi32>
    %reduce_sum3A_1014 = arith.constant dense<0> : vector<16xi32>
    %reduce_sum3A_1015 = vector.multi_reduction <add>, %convert_element_type3A_1013, %reduce_sum3A_1014 [1] : vector<16x256xi32> to vector<16xi32>
    %broadcast_in_dim3A_1016 = vector.shape_cast %reduce_sum3A_1015 : vector<16xi32> to vector<16x1xi32>
    %add3A_1017 = arith.addi %broadcast_in_dim3A_685, %broadcast_in_dim3A_1016 : vector<16x1xi32>
    %ge3A_1018 = arith.constant 3276 : i32
    %ge3A_1019 = vector.broadcast %ge3A_1018 : i32 to vector<16x1xi32>
    %ge3A_1020 = arith.cmpi sge, %add3A_1017, %ge3A_1019 : vector<16x1xi32>
    %select_n3A_1021 = arith.select %ge3A_1020, %or3A_977, %select_n3A_974 : vector<16x1xi1>, vector<16x1xi32>
    %or3A_1022 = arith.constant 256 : i32
    %or3A_1023 = vector.broadcast %or3A_1022 : i32 to vector<16x1xi32>
    %or3A_1024 = arith.ori %select_n3A_1021, %or3A_1023 : vector<16x1xi32>
    %xor3A_1025 = arith.constant 32768 : i32
    %xor3A_1026 = vector.broadcast %xor3A_1025 : i32 to vector<16x1xi32>
    %xor3A_1027 = arith.xori %or3A_1024, %xor3A_1026 : vector<16x1xi32>
    %convert_element_type3A_1028 = arith.trunci %xor3A_1027 : vector<16x1xi32> to vector<16x1xi16>
    %ge3A_1029 = vector.broadcast %convert_element_type3A_1028 : vector<16x1xi16> to vector<16x65536xi16>
    %ge3A_1030 = arith.cmpi sge, %select_n3A_690, %ge3A_1029 : vector<16x65536xi16>
    %jit3A_1031 = arith.constant 1 : i16
    %jit3A_1032 = arith.constant 0 : i16
    %broadcast_in_dim3A_1033 = vector.broadcast %jit3A_1031 : i16 to vector<16x65536xi16>
    %broadcast_in_dim3A_1034 = vector.broadcast %jit3A_1032 : i16 to vector<16x65536xi16>
    %select_n3A_1035 = arith.select %ge3A_1030, %broadcast_in_dim3A_1033, %broadcast_in_dim3A_1034 : vector<16x65536xi1>, vector<16x65536xi16>
    %slice3A_1036 = vector.extract_strided_slice %select_n3A_1035 {offsets = [0, 0], sizes = [16, 32768], strides = [1, 1]} : vector<16x65536xi16> to vector<16x32768xi16>
    %slice3A_1037 = vector.extract_strided_slice %select_n3A_1035 {offsets = [0, 32768], sizes = [16, 32768], strides = [1, 1]} : vector<16x65536xi16> to vector<16x32768xi16>
    %add3A_1038 = arith.addi %slice3A_1036, %slice3A_1037 : vector<16x32768xi16>
    %slice3A_1039 = vector.extract_strided_slice %add3A_1038 {offsets = [0, 0], sizes = [16, 16384], strides = [1, 1]} : vector<16x32768xi16> to vector<16x16384xi16>
    %slice3A_1040 = vector.extract_strided_slice %add3A_1038 {offsets = [0, 16384], sizes = [16, 16384], strides = [1, 1]} : vector<16x32768xi16> to vector<16x16384xi16>
    %add3A_1041 = arith.addi %slice3A_1039, %slice3A_1040 : vector<16x16384xi16>
    %slice3A_1042 = vector.extract_strided_slice %add3A_1041 {offsets = [0, 0], sizes = [16, 8192], strides = [1, 1]} : vector<16x16384xi16> to vector<16x8192xi16>
    %slice3A_1043 = vector.extract_strided_slice %add3A_1041 {offsets = [0, 8192], sizes = [16, 8192], strides = [1, 1]} : vector<16x16384xi16> to vector<16x8192xi16>
    %add3A_1044 = arith.addi %slice3A_1042, %slice3A_1043 : vector<16x8192xi16>
    %slice3A_1045 = vector.extract_strided_slice %add3A_1044 {offsets = [0, 0], sizes = [16, 4096], strides = [1, 1]} : vector<16x8192xi16> to vector<16x4096xi16>
    %slice3A_1046 = vector.extract_strided_slice %add3A_1044 {offsets = [0, 4096], sizes = [16, 4096], strides = [1, 1]} : vector<16x8192xi16> to vector<16x4096xi16>
    %add3A_1047 = arith.addi %slice3A_1045, %slice3A_1046 : vector<16x4096xi16>
    %slice3A_1048 = vector.extract_strided_slice %add3A_1047 {offsets = [0, 0], sizes = [16, 2048], strides = [1, 1]} : vector<16x4096xi16> to vector<16x2048xi16>
    %slice3A_1049 = vector.extract_strided_slice %add3A_1047 {offsets = [0, 2048], sizes = [16, 2048], strides = [1, 1]} : vector<16x4096xi16> to vector<16x2048xi16>
    %add3A_1050 = arith.addi %slice3A_1048, %slice3A_1049 : vector<16x2048xi16>
    %slice3A_1051 = vector.extract_strided_slice %add3A_1050 {offsets = [0, 0], sizes = [16, 1024], strides = [1, 1]} : vector<16x2048xi16> to vector<16x1024xi16>
    %slice3A_1052 = vector.extract_strided_slice %add3A_1050 {offsets = [0, 1024], sizes = [16, 1024], strides = [1, 1]} : vector<16x2048xi16> to vector<16x1024xi16>
    %add3A_1053 = arith.addi %slice3A_1051, %slice3A_1052 : vector<16x1024xi16>
    %slice3A_1054 = vector.extract_strided_slice %add3A_1053 {offsets = [0, 0], sizes = [16, 512], strides = [1, 1]} : vector<16x1024xi16> to vector<16x512xi16>
    %slice3A_1055 = vector.extract_strided_slice %add3A_1053 {offsets = [0, 512], sizes = [16, 512], strides = [1, 1]} : vector<16x1024xi16> to vector<16x512xi16>
    %add3A_1056 = arith.addi %slice3A_1054, %slice3A_1055 : vector<16x512xi16>
    %slice3A_1057 = vector.extract_strided_slice %add3A_1056 {offsets = [0, 0], sizes = [16, 256], strides = [1, 1]} : vector<16x512xi16> to vector<16x256xi16>
    %slice3A_1058 = vector.extract_strided_slice %add3A_1056 {offsets = [0, 256], sizes = [16, 256], strides = [1, 1]} : vector<16x512xi16> to vector<16x256xi16>
    %add3A_1059 = arith.addi %slice3A_1057, %slice3A_1058 : vector<16x256xi16>
    %convert_element_type3A_1060 = arith.extsi %add3A_1059 : vector<16x256xi16> to vector<16x256xi32>
    %reduce_sum3A_1061 = arith.constant dense<0> : vector<16xi32>
    %reduce_sum3A_1062 = vector.multi_reduction <add>, %convert_element_type3A_1060, %reduce_sum3A_1061 [1] : vector<16x256xi32> to vector<16xi32>
    %broadcast_in_dim3A_1063 = vector.shape_cast %reduce_sum3A_1062 : vector<16xi32> to vector<16x1xi32>
    %add3A_1064 = arith.addi %broadcast_in_dim3A_685, %broadcast_in_dim3A_1063 : vector<16x1xi32>
    %ge3A_1065 = arith.constant 3276 : i32
    %ge3A_1066 = vector.broadcast %ge3A_1065 : i32 to vector<16x1xi32>
    %ge3A_1067 = arith.cmpi sge, %add3A_1064, %ge3A_1066 : vector<16x1xi32>
    %select_n3A_1068 = arith.select %ge3A_1067, %or3A_1024, %select_n3A_1021 : vector<16x1xi1>, vector<16x1xi32>
    %shift_left3A = arith.constant 16 : i32
    %shift_left3A_1069 = vector.broadcast %shift_left3A : i32 to vector<16x1xi32>
    %shift_left3A_1070 = arith.shli %select_n3A_650, %shift_left3A_1069 : vector<16x1xi32>
    %or3A_1071 = arith.ori %shift_left3A_1070, %select_n3A_1068 : vector<16x1xi32>
    %squeeze3A = vector.shape_cast %or3A_1071 : vector<16x1xi32> to vector<16xi32>
    %swap3A = arith.constant 0 : index
    %swap3A_1072 = arith.constant 0 : index
    %swap3A_1073 = arith.constant 0 : index
    %swap3A_1074 = vector.load %arg2[%swap3A, %swap3A_1072, %swap3A_1073] : memref<1x1x16xi32, #tpu.memory_space<vmem>>, vector<1x1x16xi32>
    %swap3A_1075 = vector.shape_cast %swap3A_1074 : vector<1x1x16xi32> to vector<16xi32>
    %swap3A_1076 = vector.shape_cast %squeeze3A : vector<16xi32> to vector<1x1x16xi32>
    tpu.vector_store %arg2[%swap3A, %swap3A_1072, %swap3A_1073], %swap3A_1076 {strides = array<i32>} : memref<1x1x16xi32, #tpu.memory_space<vmem>>, vector<1x1x16xi32>,
    return
  }
  func.func @transform_0(%arg0: i32) -> (i32, i32) {
    %c0_i32 = arith.constant 0 : i32
    %c0_i32_0 = arith.constant 0 : i32
    return %arg0, %c0_i32 : i32, i32
  }
  func.func @transform_1(%arg0: i32) -> (i32, i32, i32) {
    %c0_i32 = arith.constant 0 : i32
    %c0_i32_0 = arith.constant 0 : i32
    %c0_i32_1 = arith.constant 0 : i32
    return %arg0, %c0_i32, %c0_i32_0 : i32, i32, i32
  }
}

</mosaic_0001>

<sc_bundles>
// kernel: sparse-core-data-format-call.cloned.1.call-start
scs
called_computation_lowered:
.L_overlay_start_0:
0x0: {  	s2 =	sld [smem:$0x3FD9]  }
0x1: {  	s3 =	sld [smem:$0x3FFE];
	_ =	sdelay $0x1  }
0x2: {  	s1 =	srdreg.scid  }
0x3: {  	s0 =	sand.u32 $0x1, s1  }
0x4: {  	s18 =	sshll.u32 s0, $0xA;
	s2 =	sadd.s32 s3, s2  }
0x5: {  	s2 =	sadd.s32 s2, s18  }
0x6: {  	[smem:$0x3FC6] =	sst s2  }
0x7: {  	_ = 	snop  }
0x8: {  	s2 =	sld [smem:$0x3FC9];
	(tm) =	ssettm $0x1  }
0x9: {  	s19 =	sld [smem:$0x3FFB];
	_ =	sdelay $0x3  }
0xa: {  	_ =	strace s19  }
0xb: {  	s3 =	sld [smem:$0x3FFC];
	_ =	sdelay $0x3  }
0xc: {  	_ =	strace s3  }
0xd: {  	s3 =	sld [smem:$0x3FFD];
	_ =	sdelay $0x3  }
0xe: {  	_ =	strace s3  }
0xf: {  	_ =	strace $0x8FFFFFFF  }
0x10: {  	s20 =	sld [smem:$0x3FDB];
	_ =	sdelay $0x1  }
0x11: {  	s4 =	simm.s32 $_scs_section_size  }
0x12: {  	s5 =	simm.s32 $_size__tile_overlayer_lowered;
	s6 =	simm.s32 $_tile_overlayer_lowered  }
0x13: {  	s23 =	simm.s32 $0x1BFF;
	s22 =	sshll.u32 s6, $0x1;
	s3 =	sadd.s32 s4, s20  }
0x14: {  	s7 =	simm.s32 $0x0;
	s21 =	sshll.u32 s5, $0x1;
	s5 =	sadd.s32 s22, s3  }
0x15: {  	[timem:s7], [sflag:s23] =	dma.local [hbm:s5], s21  }
0x16: {  	_ =	swait.ge [sflag:s23], s21  }
0x17: {  	s4 =	ssub.s32 $0x0, s21;
	[sflag:s23] =	ssyncset.done $0x0  }
0x18: {  	[sflag:s23] =	ssyncadd.s32 s4;
	_ =	sdelay $0x1  }
0x19: {  	s24 =	simm.s32 $0x1B8B  }
0x1a: {  	_ =	swait.ge [sflag:s24], $0x1  }
0x1b: {  	[sflag:s24] =	ssyncset.done $0x0  }
0x1c: {  	s26 =	simm.s32 $0x1B8E;
	s25 =	sld [smem:$0x3FFE];
	[sflag:s24] =	ssyncadd.s32 $0xFFFFFFFF  }
0x1d: {  	s27 =	simm.s32 $execute0_lowered;
	[smem:$0x3FD2] =	sst s26  }
0x1e: {  	s5 =	sshll.u32 s27, $0x1;
	_ =	strace $0x80000046;
	[dreg:$0x1] =	wrdreg $0xFFFFFFFF  }
0x1f: {  	s28 =	simm.s32 $_size_execute0_lowered;
	s3 =	sadd.s32 s3, s5;
	[dreg:$0x0] =	wrdreg $0x0  }
0x20: {  	s5 =	sshll.u32 s28, $0x1;
	[dreg:$0x2] =	wrdreg s3  }
0x21: {  	[dreg:$0x3] =	wrdreg s5  }
0x22: {  	[dreg:$0x4] =	wrdreg $0xC0  }
0x23: {  	_ =	task [dreg:s7], $0x5FFFF  }
0x24: {  	[dreg:$0x1] =	wrdreg $0xFFFFFFFF  }
0x25: {  	[dreg:$0x0] =	wrdreg $0x60  }
0x26: {  	[dreg:$0x2] =	wrdreg s2  }
0x27: {  	[dreg:$0x3] =	wrdreg s25  }
0x28: {  	[dreg:$0x4] =	wrdreg $0x9  }
0x29: {  	_ =	task.clear_ibuf [dreg:s7], $0x5FFFF;
	_ =	strace $0x90000046  }
0x2a: {  	s29 =	simm.s32 $0x9;
	_ =	strace $0x80000048  }
0x2b: {  	_ =	swait.ge [sflag:s29], $0x1  }
0x2c: {  	[sflag:s29] =	ssyncadd.s32 $0xFFFFFFFF  }
0x2d: {  	_ =	strace $0x90000048  }
0x2e: {  	_ =	sfence  }
0x2f: {  	s30 =	sld [smem:$0x0];
	_ =	sdelay $0x2  }
0x30: {  	s31 =	sshll.u32 s1, $0xD;
	s1 =	sshrl.u32 s1, $0x2  }
0x31: {  	s3 =	sand.u32 $0x4000, s31;
	s1 =	sadd.s32 s1, s30  }
0x32: {  	s0 =	sor.u32 s3, s0;
	s1 =	sshll.u32 s1, $0x11  }
0x33: {  	s0 =	sor.u32 s1, s0  }
0x34: {  	s0 =	sadd.s32 $0x8F2B, s0  }
0x35: {  	[sflag:s0] =	ssyncadd.remote.s32 $0x1  }
0x36: {  	_ =	sfence.sel $0xFFFF  }
0x37: {  	[dreg:$0x0] =	wrdreg $0xFFFFFFFF;
	(pc) =	sbr.abs _section_cstart, $3  }
0x38: {  	[dreg:$0x1] =	wrdreg $0xFFFFFFFF  }
0x39: {  	_ =	task.clear_ibuf [dreg:s7], $0x2FFFF;
	_ =	strace $0x9FFFFFFF  }
0x3a: {  	(tm) =	ssettm $0x7FFFFFFF  }
0x3b: {  	_ =	shalt  }
tec
execute0_lowered:
.L_overlay_start_1:
0x0: {  	(tag) =	ssettag $0x1  }
0x1: {  	s2 =	rddreg [dreg:$0x0]  }
0x2: {  	s1 =	rddreg [dreg:$0x1]  }
0x3: {  	s0 =	rddreg [dreg:$0x2];
	_ =	strace $0x80000047;
	s4 =	srdreg.scid  }
0x4: {  	s6 =	simm.s32 $0x2;
	s12 =	simm.s32 $0x0;
	p0 =	por $0x0, $0x0  }
0x5: {  	s13 =	simm.s32 $0x0;
	s15 =	simm.s32 $0x0;
	s14 =	simm.s32 $0x0  }
.Ltmp0:
0x6: {  	s8 =	simm.s32 $0x0;
	s9 =	simm.s32 $0x0;
	(pc) =	sbr.rel .LBB1_1-.Ltmp0, $4  }
0x7: {  	s10 =	simm.s32 $0x0;
	s3 =	sadd.s32 $0x200, s1;
	s5 =	sshll.u32 s4, $0x4  }
0x8: {  	s1 =	stileid.u32;
	s4 =	simm.s32 $0x1;
	s5 =	sand.u32 $0x10, s5  }
0x9: {  	s7 =	simm.s32 $0x0;
	[sflag:s4] =	ssyncpa.u1 $0x0;
	s5 =	sor.u32 s1, s5  }
0xa: {  	[sflag:s6] =	ssyncpa.u1 $0x0;
	s6 =	simm.s32 $0x800;
	s11 =	smov.u32 s5  }
.LBB1_5:
0xb: {  	s16 =	sadd.s32 $0x80, s8  }
0xc: {  	s12 =	sadd.s32 $0x80, s9;
	s17 =	smov.u32 s9;
	p2 =	sgt.s32 s16, $0xFF  }
0xd: {  	s17 =	smov.u32 @p2 s12  }
0xe: {  	s12 =	simm.s32 $0x1;
	p3 =	sgt.s32 s17, $0xFF  }
0xf: {  	s12 =	simm.s32 @!p3 $0x0  }
0x10: {  	s18 =	sadd.s32 s12, s10  }
0x11: {  	s19 =	smov.u32 s11;
	s12 =	sadd.s32 $0x20, s11;
	p4 =	sgt.s32 s18, $0x7  }
0x12: {  	p1 =	slt.u32 s7, $0x2;
	s19 =	smov.u32 @p4 s12  }
0x13: {  	s7 =	sadd.s32 $0x1, s7;
	s16 =	simm.s32 @p2 $0x0;
	p2 =	sgt.s32 s19, $0x3F  }
0x14: {  	s20 =	simm.s32 @!p1 $0x2;
	s19 =	smov.u32 @p2 s5;
	p2 =	sne.s32 s7, $0x42  }
.Ltmp1:
0x15: {  	s13 =	smov.u32 s9;
	_ =	swait.ge @!p1 [sflag:s20], $0x4000;
	(pc) =	sbr.rel @!p2 .LBB1_6-.Ltmp1, $4  }
0x16: {  	s15 =	smov.u32 s10;
	s14 =	smov.u32 s11;
	[sflag:s20] =	ssyncset.done @!p1 $0x0  }
0x17: {  	p0 =	por !p0, !p0;
	s17 =	simm.s32 @p3 $0x0;
	[sflag:s20] =	ssyncadd.s32 @!p1 $0xFFFFC000  }
0x18: {  	s9 =	smov.u32 s17;
	s18 =	simm.s32 @p4 $0x0;
	s12 =	smov.u32 s8  }
0x19: {  	s8 =	smov.u32 s16;
	s10 =	smov.u32 s18;
	s11 =	smov.u32 s19  }
.LBB1_1:
0x1a: {  	p1 =	sgt.u32 s7, $0x3F  }
0x1b: {  	s16 =	sxor.u32 @!p1 $0xFFFFFFFF, s7;
	s17 =	sand.u32 @!p1 $0x78, s8;
	s18 =	sshll.u32 @!p1 s9, $0x8  }
0x1c: {  	s19 =	sshll.u32 @!p1 s8, $0x3;
	s20 =	sshll.u32 @!p1 s9, $0x7;
	s16 =	sshll.u32 @!p1 s16, $0xE  }
0x1d: {  	s18 =	sand.u32 @!p1 $0xF800, s18;
	s19 =	sand.u32 @!p1 $0xFC00, s19;
	s16 =	sand.u32 @!p1 $0x4000, s16  }
0x1e: {  	s18 =	sadd.s32 @!p1 s18, s19;
	s19 =	sand.u32 @!p1 $0x300, s20;
	s20 =	sand.u32 @!p1 $0x80, s20  }
0x1f: {  	s18 =	sor.u32 @!p1 s19, s18;
	s17 =	sor.u32 @!p1 s17, s20;
	s19 =	sshll.u32 @!p1 s11, $0x10  }
0x20: {  	s20 =	sshll.u32 @!p1 s10, $0xD;
	s18 =	sshrl.u32 @!p1 s18, $0x3;
	s19 =	sadd.s32 @!p1 s2, s19  }
0x21: {  	s17 =	sshrl.u32 @!p1 s17, $0x3;
	s19 =	sadd.s32 @!p1 s20, s19;
	s20 =	sand.u32 @!p1 $0x7, s8  }
0x22: {  	s18 =	sand.u32 @!p1 $0x1FE0, s18;
	s17 =	sadd.s32 @!p1 s17, s19;
	s19 =	sshll.u32 @!p1 s20, $0x12  }
0x23: {  	s17 =	sadd.s32 @!p1 s18, s17;
	s18 =	sor.u32 @!p1 $0x400, s19;
	s19 =	simm.s32 @!p1 $0x800  }
0x24: {  	[tilespmem:s16], [sflag:$0x1] =	stream.strided.gather @!p1 [hbm4b:s17+s18], $0x4000, s19, s18, $0x38;
	[tilespmem:$0x10000] =	vst v63  }
0x25: {  	p1 =	seq.s32 s7, $0x0  }
0x26: {  	p2 =	seq.s32 @!p1 s7, $0x41  }
0x27: {  	p1 =	por p1, p2  }
.Ltmp2:
0x28: {  	_ = 	snop;
	(pc) =	sbr.rel @p1 .LBB1_5-.Ltmp2, $1  }
0x29: {  	_ =	sdelay $0x3  }
0x2a: {  	s16 =	simm.s32 $0x1  }
0x2b: {  	s16 =	simm.s32 @!p0 $0x0  }
0x2c: {  	s16 =	sshll.u32 s16, $0xE  }
0x2d: {  	s17 =	sor.u32 $0x40, s16  }
0x2e: {  	v1 =	vmov s17;
	_ =	sdelay $0x1  }
0x2f: {  	_ =	swait.ge [sflag:s4], $0x4000  }
0x30: {  	[sflag:s4] =	ssyncset.done $0x0  }
0x31: {  	s18 =	simm.s32 $0x0;
	[sflag:s4] =	ssyncadd.s32 $0xFFFFC000  }
0x32: {  	s16 =	sor.u32 $0x8070, s16;
	v7 =	vld.idx.msk [tilespmem:v1+s18+$0x30 ss:$0x1], $0xffff  }
0x33: {  	v0 =	vmov s16;
	v8 =	vld.idx.msk [tilespmem:v1+s18+$0xFFFFFFC0 ss:$0x1], $0xffff  }
0x34: {  	v6 =	vld.idx.msk [tilespmem:v1+s18+$0xFFFFFFD0 ss:$0x1], $0xffff  }
0x35: {  	v4 =	vld.idx.msk [tilespmem:v1+s18+$0xFFFFFFE0 ss:$0x1], $0xffff  }
0x36: {  	v2 =	vld.idx.msk [tilespmem:v1+s18+$0xFFFFFFF0 ss:$0x1], $0xffff  }
0x37: {  	s31 =	sshll.u32 s7, $0xE;
	v3 =	vld.idx.msk [tilespmem:v1+s18+$0x0 ss:$0x1], $0xffff  }
0x38: {  	s16 =	sand.u32 $0x4000, s31;
	v5 =	vld.idx.msk [tilespmem:v1+s18+$0x10 ss:$0x1], $0xffff;
	[tilespmem:v0+s18+$0x0 ss:$0x1] =	vst.idx.msk $0xffff, v7  }
0x39: {  	s19 =	simm.s32 $0x400;
	s17 =	simm.s32 $0x80;
	s16 =	sor.u32 $0x8000, s16;
	[tilespmem:v0+s18+$0xFFFFFF90 ss:$0x1] =	vst.idx.msk $0xffff, v8;
	v7 =	vld.idx.msk [tilespmem:v1+s18+$0x20 ss:$0x1], $0xffff  }
.LBB1_3:
0x3a: {  	p1 =	sne.s32 s19, $0xFE00;
	v8 =	vld.idx.msk [tilespmem:v1+s17+$0x30 ss:$0x1], $0xffff;
	[tilespmem:v0+s18+$0xFFFFFFA0 ss:$0x1] =	vst.idx.msk $0xffff, v6  }
0x3b: {  	v9 =	vld.idx.msk [tilespmem:v1+s17+$0xFFFFFFC0 ss:$0x1], $0xffff;
	[tilespmem:v0+s18+$0xFFFFFFB0 ss:$0x1] =	vst.idx.msk $0xffff, v4  }
0x3c: {  	v6 =	vld.idx.msk [tilespmem:v1+s17+$0xFFFFFFD0 ss:$0x1], $0xffff;
	[tilespmem:v0+s18+$0xFFFFFFC0 ss:$0x1] =	vst.idx.msk $0xffff, v2  }
.Ltmp3:
0x3d: {  	v4 =	vld.idx.msk [tilespmem:v1+s17+$0xFFFFFFE0 ss:$0x1], $0xffff;
	[tilespmem:v0+s18+$0xFFFFFFD0 ss:$0x1] =	vst.idx.msk $0xffff, v3;
	(pc) =	sbr.rel @p1 .LBB1_3-.Ltmp3, $4  }
0x3e: {  	v2 =	vld.idx.msk [tilespmem:v1+s17+$0xFFFFFFF0 ss:$0x1], $0xffff;
	[tilespmem:v0+s18+$0xFFFFFFE0 ss:$0x1] =	vst.idx.msk $0xffff, v5  }
0x3f: {  	v3 =	vld.idx.msk [tilespmem:v1+s17+$0x0 ss:$0x1], $0xffff;
	[tilespmem:v0+s18+$0xFFFFFFF0 ss:$0x1] =	vst.idx.msk $0xffff, v7;
	s18 =	smov.u32 s17  }
0x40: {  	v5 =	vld.idx.msk [tilespmem:v1+s18+$0x10 ss:$0x1], $0xffff;
	[tilespmem:v0+s18+$0x0 ss:$0x1] =	vst.idx.msk $0xffff, v8  }
0x41: {  	s17 =	sshra.s32 s19, $0x2;
	s19 =	sadd.s32 $0x200, s19;
	[tilespmem:v0+s18+$0xFFFFFF90 ss:$0x1] =	vst.idx.msk $0xffff, v9;
	v7 =	vld.idx.msk [tilespmem:v1+s18+$0x20 ss:$0x1], $0xffff  }
0x42: {  	_ =	sdelay $0x3  }
0x43: {  	[tilespmem:v0+s18+$0xFFFFFFA0 ss:$0x1] =	vst.idx.msk $0xffff, v6  }
0x44: {  	v56 =	vld.idx.msk [tilespmem:v1+s17+$0x30 ss:$0x1], $0xffff;
	[tilespmem:v0+s18+$0xFFFFFFB0 ss:$0x1] =	vst.idx.msk $0xffff, v4  }
0x45: {  	v57 =	vld.idx.msk [tilespmem:v1+s17+$0xFFFFFFC0 ss:$0x1], $0xffff;
	[tilespmem:v0+s18+$0xFFFFFFC0 ss:$0x1] =	vst.idx.msk $0xffff, v2  }
0x46: {  	v58 =	vld.idx.msk [tilespmem:v1+s17+$0xFFFFFFD0 ss:$0x1], $0xffff;
	[tilespmem:v0+s18+$0xFFFFFFD0 ss:$0x1] =	vst.idx.msk $0xffff, v3  }
0x47: {  	v59 =	vld.idx.msk [tilespmem:v1+s17+$0xFFFFFFE0 ss:$0x1], $0xffff;
	[tilespmem:v0+s18+$0xFFFFFFE0 ss:$0x1] =	vst.idx.msk $0xffff, v5  }
0x48: {  	v60 =	vld.idx.msk [tilespmem:v1+s17+$0xFFFFFFF0 ss:$0x1], $0xffff;
	[tilespmem:v0+s18+$0xFFFFFFF0 ss:$0x1] =	vst.idx.msk $0xffff, v7  }
0x49: {  	v61 =	vld.idx.msk [tilespmem:v1+s17+$0x0 ss:$0x1], $0xffff;
	[tilespmem:v0+s17+$0x0 ss:$0x1] =	vst.idx.msk $0xffff, v56  }
0x4a: {  	v62 =	vld.idx.msk [tilespmem:v1+s17+$0x10 ss:$0x1], $0xffff;
	[tilespmem:v0+s17+$0xFFFFFF90 ss:$0x1] =	vst.idx.msk $0xffff, v57  }
0x4b: {  	s15 =	sshll.u32 s15, $0x7;
	v63 =	vld.idx.msk [tilespmem:v1+s17+$0x20 ss:$0x1], $0xffff;
	s29 =	sand.u32 $0x78, s12;
	s30 =	sshll.u32 s12, $0x3;
	[tilespmem:v0+s17+$0xFFFFFFA0 ss:$0x1] =	vst.idx.msk $0xffff, v58  }
0x4c: {  	s14 =	sshll.u32 s14, $0x10;
	s13 =	sshll.u32 s13, $0x8;
	s15 =	sand.u32 $0x380, s15;
	[tilespmem:v0+s17+$0xFFFFFFB0 ss:$0x1] =	vst.idx.msk $0xffff, v59  }
.Ltmp4:
0x4d: {  	s15 =	sor.u32 s29, s15;
	s18 =	sand.u32 $0x400, s30;
	[tilespmem:v0+s17+$0xFFFFFFC0 ss:$0x1] =	vst.idx.msk $0xffff, v60;
	(pc) =	sbr.rel .LBB1_5-.Ltmp4, $4  }
0x4e: {  	s31 =	sand.u32 $0x7, s12;
	s14 =	sadd.s32 s3, s14;
	[tilespmem:v0+s17+$0xFFFFFFD0 ss:$0x1] =	vst.idx.msk $0xffff, v61;
	s15 =	sor.u32 s18, s15  }
0x4f: {  	s12 =	sshll.u32 s31, $0x12;
	s13 =	sadd.s32 s13, s14;
	[tilespmem:v0+s17+$0xFFFFFFE0 ss:$0x1] =	vst.idx.msk $0xffff, v62;
	s15 =	sshrl.u32 s15, $0x3  }
0x50: {  	s12 =	sor.u32 $0x80, s12;
	[tilespmem:v0+s17+$0xFFFFFFF0 ss:$0x1] =	vst.idx.msk $0xffff, v63;
	s13 =	sadd.s32 s15, s13  }
0x51: {  	[hbm4b:s13+s12] =	stream.strided.scatter [tilespmem:s16], [sflag:$0x2], $0x4000, s6, s12, $0x38;
	[tilespmem:$0x10000] =	vst v63  }
.LBB1_6:
0x52: {  	_ =	sfence.sel $0x180000  }
0x53: {  	s2 =	simm.s32 $0x1;
	[bflag:$0x0] =	sbarrier.arrive $0xFFFF  }
0x54: {  	s31 =	simm.s32 $0x2;
	[sflag:s2] =	ssyncpa.u1 $0x1  }
0x55: {  	[sflag:s31] =	ssyncpa.u1 $0x1  }
0x56: {  	p0 =	sne.s32 s1, $0x0;
	_ =	strace $0x90000047  }
0x57: {  	s0 =	sadd.s32 @!p0 $0x100000, s0;
	[bflag:$0x2] =	sbarrier.arrive $0xFFFF  }
0x58: {  	[sflag:s0] =	ssyncadd.tile.s32 @!p0 $0x1;
	_ =	shalt  }
.Lfunc_end1:
_tile_overlayer_lowered:
.L_overlay_start_2:
0x59: {  	(tag) =	ssettag $0x2  }
0x5a: {  	s0 =	rddreg [dreg:$0x0];
	s2 =	stileid.u32  }
0x5b: {  	s1 =	rddreg [dreg:$0x1];
	p0 =	sne.s32 s2, $0x0  }
0x5c: {  	s3 =	rddreg [dreg:$0x2];
	[bflag:$0x3] =	sbarrier.arrive $0xFFFF;
	s2 =	simm.s32 @!p0 $0x1C01  }
0x5d: {  	[timem:s3], [sflag:s2] =	dma.local @!p0 [hbm:s0], s1  }
0x5e: {  	s0 =	simm.s32 @!p0 $0x1  }
0x5f: {  	_ =	swait.ge @!p0 [sflag:s0], s1  }
0x60: {  	s1 =	ssub.s32 @!p0 $0x0, s1;
	[sflag:s0] =	ssyncset.done @!p0 $0x0  }
0x61: {  	[sflag:s0] =	ssyncadd.s32 @!p0 s1  }
0x62: {  	[bflag:$0x3] =	sbarrier.arrive $0xFFFF  }
0x63: {  	_ =	shalt  }

</sc_bundles>
